<compile_context>
chip_gen: v7x
topology: tpu7x:2x2x1
jax: 0.10.2.dev20260603
libtpu: 0.0.44.dev20260713+nightly
codegen_flags: <defaults>
</compile_context>

<pallas_src>
import functools

import jax
import jax.numpy as jnp
from jax import lax
from jax.experimental import pallas as pl
from jax.experimental.pallas import tpu as pltpu
from jax.experimental.pallas import tpu_sc as plsc

N = 10000
E = 320000
D = 128
DH = 64
DE = 16
NC_SC = 2
NS_SC = 16
L = 16

IW = 80
BLK = 160
NCH = BLK // IW
EPT = E // NS_SC
NBLK = EPT // BLK
N_PAD = 10240
ROWS_PT = N_PAD // NS_SC

BE = 2000
BN_BLK = 1000



def _edge_lin_body(attr_ref, w_ref, b_ref, e0_ref, e1_ref):
    r = jnp.dot(attr_ref[...], w_ref[...], preferred_element_type=jnp.float32)
    r = r + b_ref[...]
    e0_ref[...] = r[:, :DH]
    e1_ref[...] = r[:, DH:]


def _edge_linear(edge_attr, w_edge, b_edge):
    return pl.pallas_call(
        _edge_lin_body,
        grid=(E // BE,),
        in_specs=[
            pl.BlockSpec((BE, DE), lambda i: (i, 0)),
            pl.BlockSpec((DE, D), lambda i: (0, 0)),
            pl.BlockSpec((1, D), lambda i: (0, 0)),
        ],
        out_specs=[
            pl.BlockSpec((BE, DH), lambda i: (i, 0)),
            pl.BlockSpec((BE, DH), lambda i: (i, 0)),
        ],
        out_shape=[
            jax.ShapeDtypeStruct((E, DH), jnp.float32),
            jax.ShapeDtypeStruct((E, DH), jnp.float32),
        ],
    )(edge_attr, w_edge, b_edge)



@functools.cache
def _build_sc_aggregate():
    mesh = plsc.VectorSubcoreMesh(core_axis_name="c", subcore_axis_name="s",
                                  num_cores=NC_SC, num_subcores=NS_SC)
    return pl.kernel(
        _sc_body,
        out_type=jax.ShapeDtypeStruct((NC_SC, N_PAD, D), jnp.float32),
        mesh=mesh,
        scratch_types=[
            pltpu.VMEM_SHARED((N_PAD, D), jnp.float32),
            pltpu.VMEM((NCH, IW), jnp.int32),
            pltpu.VMEM((NCH, IW), jnp.int32),
            pltpu.VMEM((BLK, D), jnp.float32),
            pltpu.VMEM((BLK, DH), jnp.float32),
            pltpu.VMEM((L,), jnp.float32),
            pltpu.SemaphoreType.DMA,
        ],
    )


def _sc_body(x_hbm, e0_hbm, e1_hbm, src_hbm, dst_hbm, t_hbm,
             acc_hbm, acc_sh, si, di, xg, eb, tv, sem):
    c = lax.axis_index("c")
    s = lax.axis_index("s")
    pltpu.sync_copy(t_hbm, tv)

    def _zrow(i, _):
        for k in range(D // L):
            xg[i, pl.ds(k * L, L)] = jnp.zeros((L,), jnp.float32)
        return 0
    lax.fori_loop(0, BLK, _zrow, 0)

    r0 = s * ROWS_PT
    off = 0
    for sz in _chunks(ROWS_PT, BLK):
        pltpu.sync_copy(xg.at[pl.ds(0, sz), :], acc_sh.at[pl.ds(r0 + off, sz), :])
        off += sz
    plsc.subcore_barrier()

    tvv = tv[...]
    blk0 = s * NBLK
    col = c * DH

    def _block(bi, _):
        blk = blk0 + bi
        pltpu.sync_copy(src_hbm.at[blk], si)
        pltpu.sync_copy(dst_hbm.at[blk], di)

        cps = [
            pltpu.async_copy(x_hbm.at[si.at[ch]],
                             xg.at[pl.ds(ch * IW, IW), :], sem)
            for ch in range(NCH)
        ]
        for cp in cps:
            cp.wait()

        @pl.when(c == 0)
        def _():
            pltpu.sync_copy(e0_hbm.at[pl.ds(s * EPT + bi * BLK, BLK), :], eb)

        @pl.when(c == 1)
        def _():
            pltpu.sync_copy(e1_hbm.at[pl.ds(s * EPT + bi * BLK, BLK), :], eb)

        def _row(i, _):
            for k in range(DH // L):
                m = jnp.maximum(xg[i, pl.ds(col + k * L, L)]
                                + eb[i, pl.ds(k * L, L)], 0.0) + 1e-7
                ex = jnp.exp(m * tvv)
                xg[i, pl.ds(k * L, L)] = ex * m
                xg[i, pl.ds(DH + k * L, L)] = ex
            return 0
        lax.fori_loop(0, BLK, _row, 0)

        for ch in range(NCH):
            pltpu.sync_copy(xg.at[pl.ds(ch * IW, IW), :],
                            acc_sh.at[di.at[ch]], add=True)
        return 0

    lax.fori_loop(0, NBLK, _block, 0)
    plsc.subcore_barrier()

    off = 0
    for sz in _chunks(ROWS_PT, BLK):
        pltpu.sync_copy(acc_sh.at[pl.ds(r0 + off, sz), :], xg.at[pl.ds(0, sz), :])
        pltpu.sync_copy(xg.at[pl.ds(0, sz), :],
                        acc_hbm.at[c, pl.ds(r0 + off, sz), :])
        off += sz


def _chunks(total, step):
    sizes = [step] * (total // step)
    if total % step:
        sizes.append(total % step)
    return sizes



def _mlp_body(x_ref, nu_ref, de_ref, w1_ref, b1_ref, w2_ref, b2_ref,
              h2_ref, s_ref):
    i = pl.program_id(0)
    aggr = nu_ref[...] / (de_ref[...] + 1e-16)
    h = x_ref[...] + aggr
    h1 = jnp.maximum(
        jnp.dot(h, w1_ref[...], preferred_element_type=jnp.float32)
        + b1_ref[...], 0.0)
    h2 = jnp.dot(h1, w2_ref[...], preferred_element_type=jnp.float32) + b2_ref[...]
    h2_ref[...] = h2
    acc = jnp.concatenate(
        [jnp.sum(h2, axis=0, keepdims=True),
         jnp.sum(h2 * h2, axis=0, keepdims=True),
         jnp.zeros((6, D), jnp.float32)], axis=0)

    @pl.when(i == 0)
    def _():
        s_ref[...] = acc

    @pl.when(i > 0)
    def _():
        s_ref[...] = s_ref[...] + acc


def _mlp_stage(x, numer, denom, w1, b1, w2, b2):
    return pl.pallas_call(
        _mlp_body,
        grid=(N // BN_BLK,),
        in_specs=[
            pl.BlockSpec((BN_BLK, D), lambda i: (i, 0)),
            pl.BlockSpec((BN_BLK, D), lambda i: (i, 0)),
            pl.BlockSpec((BN_BLK, D), lambda i: (i, 0)),
            pl.BlockSpec((D, 2 * D), lambda i: (0, 0)),
            pl.BlockSpec((1, 2 * D), lambda i: (0, 0)),
            pl.BlockSpec((2 * D, D), lambda i: (0, 0)),
            pl.BlockSpec((1, D), lambda i: (0, 0)),
        ],
        out_specs=[
            pl.BlockSpec((BN_BLK, D), lambda i: (i, 0)),
            pl.BlockSpec((8, D), lambda i: (0, 0)),
        ],
        out_shape=[
            jax.ShapeDtypeStruct((N, D), jnp.float32),
            jax.ShapeDtypeStruct((8, D), jnp.float32),
        ],
    )(x, numer, denom, w1, b1, w2, b2)


def _bn_silu_lin_body(h_ref, s_ref, g_ref, b_ref, w_ref, o_ref, s2_ref):
    i = pl.program_id(0)
    st = s_ref[...]
    mu = st[0:1, :] * (1.0 / N)
    var = st[1:2, :] * (1.0 / N) - mu * mu
    xn = (h_ref[...] - mu) * lax.rsqrt(var + 1e-5) * g_ref[...] + b_ref[...]
    g = xn * jax.nn.sigmoid(xn)
    out = jnp.dot(g, w_ref[...], preferred_element_type=jnp.float32)
    o_ref[...] = out
    acc = jnp.concatenate(
        [jnp.sum(out, axis=0, keepdims=True),
         jnp.sum(out * out, axis=0, keepdims=True),
         jnp.zeros((6, D), jnp.float32)], axis=0)

    @pl.when(i == 0)
    def _():
        s2_ref[...] = acc

    @pl.when(i > 0)
    def _():
        s2_ref[...] = s2_ref[...] + acc


def _bn_silu_lin_stage(h2, sums, gamma, beta, w):
    return pl.pallas_call(
        _bn_silu_lin_body,
        grid=(N // BN_BLK,),
        in_specs=[
            pl.BlockSpec((BN_BLK, D), lambda i: (i, 0)),
            pl.BlockSpec((8, D), lambda i: (0, 0)),
            pl.BlockSpec((1, D), lambda i: (0, 0)),
            pl.BlockSpec((1, D), lambda i: (0, 0)),
            pl.BlockSpec((D, D), lambda i: (0, 0)),
        ],
        out_specs=[
            pl.BlockSpec((BN_BLK, D), lambda i: (i, 0)),
            pl.BlockSpec((8, D), lambda i: (0, 0)),
        ],
        out_shape=[
            jax.ShapeDtypeStruct((N, D), jnp.float32),
            jax.ShapeDtypeStruct((8, D), jnp.float32),
        ],
    )(h2, sums, gamma, beta, w)


def _bn_silu_body(h_ref, s_ref, g_ref, b_ref, o_ref):
    st = s_ref[...]
    mu = st[0:1, :] * (1.0 / N)
    var = st[1:2, :] * (1.0 / N) - mu * mu
    xn = (h_ref[...] - mu) * lax.rsqrt(var + 1e-5) * g_ref[...] + b_ref[...]
    o_ref[...] = xn * jax.nn.sigmoid(xn)


def _bn_silu_stage(g, sums, gamma, beta):
    return pl.pallas_call(
        _bn_silu_body,
        grid=(N // BN_BLK,),
        in_specs=[
            pl.BlockSpec((BN_BLK, D), lambda i: (i, 0)),
            pl.BlockSpec((8, D), lambda i: (0, 0)),
            pl.BlockSpec((1, D), lambda i: (0, 0)),
            pl.BlockSpec((1, D), lambda i: (0, 0)),
        ],
        out_specs=pl.BlockSpec((BN_BLK, D), lambda i: (i, 0)),
        out_shape=jax.ShapeDtypeStruct((N, D), jnp.float32),
    )(g, sums, gamma, beta)



def kernel(x, edge_index, edge_attr, W_edge, b_edge, t,
           mlp_W1, mlp_b1, mlp_W2, mlp_b2,
           bn1_gamma, bn1_beta, lin_W, bn2_gamma, bn2_beta):
    x = x.astype(jnp.float32)
    src3 = edge_index[0].astype(jnp.int32).reshape(E // BLK, NCH, IW)
    dst3 = edge_index[1].astype(jnp.int32).reshape(E // BLK, NCH, IW)
    tvec = jnp.full((L,), 1.0, jnp.float32) * t.astype(jnp.float32)

    e0, e1 = _edge_linear(edge_attr, W_edge, b_edge.reshape(1, D))
    acc = _build_sc_aggregate()(x, e0, e1, src3, dst3, tvec)
    numer = jnp.concatenate([acc[0, :N, :DH], acc[1, :N, :DH]], axis=1)
    denom = jnp.concatenate([acc[0, :N, DH:], acc[1, :N, DH:]], axis=1)

    h2, s1 = _mlp_stage(x, numer, denom, mlp_W1, mlp_b1.reshape(1, 2 * D),
                        mlp_W2, mlp_b2.reshape(1, D))
    g, s2 = _bn_silu_lin_stage(h2, s1, bn1_gamma.reshape(1, D),
                               bn1_beta.reshape(1, D), lin_W)
    return _bn_silu_stage(g, s2, bn2_gamma.reshape(1, D),
                          bn2_beta.reshape(1, D))

# --- scband reference (transcript-rebuilt; emitter-appended) ---
"""Pipeline reference for scband-conv-block-32375463478029 (READ-ONLY COPY).

The authoritative reference and input builder live on the scoring server;
editing this copy changes nothing except your own understanding.
"""

import jax, jax.numpy as jnp
import numpy as np

N_NODES = 10000
N_EDGES = 320000
D = 128
D_EDGE = 16

def setup_inputs(seed: int = 0) -> dict:
    key = jax.random.key(seed)
    ks = jax.random.split(key, 16)
    x = jax.random.normal(ks[0], (N_NODES, D), dtype=jnp.float32)
    edge_index = jax.random.randint(ks[1], (2, N_EDGES), 0, N_NODES, dtype=jnp.int64)
    edge_attr = jax.random.normal(ks[2], (N_EDGES, D_EDGE), dtype=jnp.float32)
    s = 1.0 / np.sqrt(D)
    W_edge = jax.random.normal(ks[3], (D_EDGE, D), dtype=jnp.float32) * (1.0 / np.sqrt(D_EDGE))
    b_edge = jnp.zeros((D,), dtype=jnp.float32)
    t = jnp.array(1.0, dtype=jnp.float32)  # learnable softmax temperature (GENConv)
    mlp_W1 = jax.random.normal(ks[4], (D, 2 * D), dtype=jnp.float32) * s
    mlp_b1 = jnp.zeros((2 * D,), dtype=jnp.float32)
    mlp_W2 = jax.random.normal(ks[5], (2 * D, D), dtype=jnp.float32) * (1.0 / np.sqrt(2 * D))
    mlp_b2 = jnp.zeros((D,), dtype=jnp.float32)
    bn1_gamma = jnp.ones((D,), dtype=jnp.float32)
    bn1_beta = jnp.zeros((D,), dtype=jnp.float32)
    lin_W = jax.random.normal(ks[6], (D, D), dtype=jnp.float32) * s
    bn2_gamma = jnp.ones((D,), dtype=jnp.float32)
    bn2_beta = jnp.zeros((D,), dtype=jnp.float32)
    return {"x": x, "edge_index": edge_index, "edge_attr": edge_attr,
            "W_edge": W_edge, "b_edge": b_edge, "t": t,
            "mlp_W1": mlp_W1, "mlp_b1": mlp_b1, "mlp_W2": mlp_W2, "mlp_b2": mlp_b2,
            "bn1_gamma": bn1_gamma, "bn1_beta": bn1_beta,
            "lin_W": lin_W, "bn2_gamma": bn2_gamma, "bn2_beta": bn2_beta}

def _batchnorm(h, gamma, beta, eps=1e-5):
    mu = jnp.mean(h, axis=0)
    var = jnp.var(h, axis=0)
    return (h - mu) / jnp.sqrt(var + eps) * gamma + beta

def reference(x, edge_index, edge_attr, W_edge, b_edge, t,
              mlp_W1, mlp_b1, mlp_W2, mlp_b2,
              bn1_gamma, bn1_beta, lin_W, bn2_gamma, bn2_beta):
    N = x.shape[0]
    src = edge_index[0]
    dst = edge_index[1]
    # GENConv message: relu(x_j + lin_edge(edge_attr)) + eps
    e = edge_attr @ W_edge + b_edge
    m = jax.nn.relu(x[src] + e) + 1e-7
    # softmax aggregation over incoming edges per dst node, temperature t
    alpha = m * t
    seg_max = jax.ops.segment_max(alpha, dst, num_segments=N)
    seg_max = jnp.where(jnp.isfinite(seg_max), seg_max, 0.0)
    ex = jnp.exp(alpha - seg_max[dst])
    denom = jax.ops.segment_sum(ex, dst, num_segments=N) + 1e-16
    w = ex / denom[dst]
    aggr = jax.ops.segment_sum(w * m, dst, num_segments=N)
    # GENConv update: MLP(x + aggr)  (2-layer MLP, expansion=2)
    h = x + aggr
    h = jax.nn.relu(h @ mlp_W1 + mlp_b1) @ mlp_W2 + mlp_b2
    # BatchNorm -> SiLU -> Linear(no bias) -> BatchNorm -> SiLU
    h = _batchnorm(h, bn1_gamma, bn1_beta)
    h = jax.nn.silu(h)
    h = h @ lin_W
    h = _batchnorm(h, bn2_gamma, bn2_beta)
    return jax.nn.silu(h)

if __name__ == "__main__":
    import jax
    _d = setup_inputs()
    print(jax.jit(kernel)(*tuple(_d.values())))

</pallas_src>

<mosaic_0001>
#map = affine_map<(d0, d1) -> (0, 0)>
#map1 = affine_map<(d0, d1) -> (0, 0, 0)>
#map2 = affine_map<(d0, d1) -> (0)>
module attributes {stable_mosaic.version = 14 : i64} {
  func.func @_sc_body(%arg0: i32, %arg1: i32, %arg2: memref<10000x128xf32, #tpu.memory_space<hbm>>, %arg3: memref<320000x64xf32, #tpu.memory_space<hbm>>, %arg4: memref<320000x64xf32, #tpu.memory_space<hbm>>, %arg5: memref<2000x2x80xi32, #tpu.memory_space<hbm>>, %arg6: memref<2000x2x80xi32, #tpu.memory_space<hbm>>, %arg7: memref<16xf32, #tpu.memory_space<hbm>>, %arg8: memref<2x10240x128xf32, #tpu.memory_space<hbm>>, %arg9: memref<10240x128xf32, #tpu.memory_space<vmem_shared>>, %arg10: memref<2x80xi32, #tpu.memory_space<vmem>>, %arg11: memref<2x80xi32, #tpu.memory_space<vmem>>, %arg12: memref<160x128xf32, #tpu.memory_space<vmem>>, %arg13: memref<160x64xf32, #tpu.memory_space<vmem>>, %arg14: memref<16xf32, #tpu.memory_space<vmem>>, %arg15: memref<!tpu.dma_semaphore, #tpu.memory_space<semaphore_mem>>) attributes {dimension_semantics = [#tpu.dimension_semantics<core_parallel>, #tpu.dimension_semantics<subcore_parallel>], iteration_bounds = array<i64: 2, 16>, scalar_prefetch = 0 : i64, scratch_operands = 7 : i64, tpu.core_type = #tpu.core_type<sc_vector_subcore>, window_params = [{transform_indices = #map}, {transform_indices = #map}, {transform_indices = #map}, {transform_indices = #map1}, {transform_indices = #map1}, {transform_indices = #map2}, {transform_indices = #map1}]} {
    "tpu.region"() ({
      %run_scoped3A = tpu.sem_alloc : memref<!tpu.dma_semaphore, #tpu.memory_space<semaphore_mem>>
      tpu.enqueue_dma source(%arg7 : memref<16xf32, #tpu.memory_space<hbm>>) target(%arg14 : memref<16xf32, #tpu.memory_space<vmem>>) target_semaphore(%run_scoped3A : memref<!tpu.dma_semaphore, #tpu.memory_space<semaphore_mem>>)
      tpu.wait_dma2 semaphore(%run_scoped3A : memref<!tpu.dma_semaphore, #tpu.memory_space<semaphore_mem>>) src(%arg7 : memref<16xf32, #tpu.memory_space<hbm>>) dst(%arg14 : memref<16xf32, #tpu.memory_space<vmem>>)
      tpu.yield
    }) : () -> ()
    %scan3A = arith.constant 0 : i32
    %scan3A_0 = arith.constant 0 : i32
    %scan3A_1 = arith.constant 160 : i32
    %scan3A_2 = arith.addi %scan3A_0, %scan3A_1 : i32
    %scan3A_3 = arith.constant 1 : i32
    %scan3A_4 = scf.for %scan3A_44 = %scan3A_0 to %scan3A_2 step %scan3A_3 iter_args(%scan3A_45 = %scan3A) -> (i32)  : i32 {
      %broadcast_in_dim3A = arith.constant 0.000000e+00 : f32
      %broadcast_in_dim3A_46 = vector.broadcast %broadcast_in_dim3A : f32 to vector<16xf32>
      %swap3A = arith.index_cast %scan3A_44 : i32 to index
      %swap3A_47 = arith.constant 0 : index
      %swap3A_48 = tpu.vector_load %arg12[%swap3A, %swap3A_47] {strides = array<i32>} : memref<160x128xf32, #tpu.memory_space<vmem>>, vector<1x16xf32>,
      %swap3A_49 = vector.shape_cast %swap3A_48 : vector<1x16xf32> to vector<16xf32>
      %swap3A_50 = vector.shape_cast %broadcast_in_dim3A_46 : vector<16xf32> to vector<1x16xf32>
      tpu.vector_store %arg12[%swap3A, %swap3A_47], %swap3A_50 {strides = array<i32>} : memref<160x128xf32, #tpu.memory_space<vmem>>, vector<1x16xf32>,
      %broadcast_in_dim3A_51 = arith.constant 0.000000e+00 : f32
      %broadcast_in_dim3A_52 = vector.broadcast %broadcast_in_dim3A_51 : f32 to vector<16xf32>
      %swap3A_53 = arith.index_cast %scan3A_44 : i32 to index
      %swap3A_54 = arith.constant 16 : index
      %swap3A_55 = tpu.vector_load %arg12[%swap3A_53, %swap3A_54] {strides = array<i32>} : memref<160x128xf32, #tpu.memory_space<vmem>>, vector<1x16xf32>,
      %swap3A_56 = vector.shape_cast %swap3A_55 : vector<1x16xf32> to vector<16xf32>
      %swap3A_57 = vector.shape_cast %broadcast_in_dim3A_52 : vector<16xf32> to vector<1x16xf32>
      tpu.vector_store %arg12[%swap3A_53, %swap3A_54], %swap3A_57 {strides = array<i32>} : memref<160x128xf32, #tpu.memory_space<vmem>>, vector<1x16xf32>,
      %broadcast_in_dim3A_58 = arith.constant 0.000000e+00 : f32
      %broadcast_in_dim3A_59 = vector.broadcast %broadcast_in_dim3A_58 : f32 to vector<16xf32>
      %swap3A_60 = arith.index_cast %scan3A_44 : i32 to index
      %swap3A_61 = arith.constant 32 : index
      %swap3A_62 = tpu.vector_load %arg12[%swap3A_60, %swap3A_61] {strides = array<i32>} : memref<160x128xf32, #tpu.memory_space<vmem>>, vector<1x16xf32>,
      %swap3A_63 = vector.shape_cast %swap3A_62 : vector<1x16xf32> to vector<16xf32>
      %swap3A_64 = vector.shape_cast %broadcast_in_dim3A_59 : vector<16xf32> to vector<1x16xf32>
      tpu.vector_store %arg12[%swap3A_60, %swap3A_61], %swap3A_64 {strides = array<i32>} : memref<160x128xf32, #tpu.memory_space<vmem>>, vector<1x16xf32>,
      %broadcast_in_dim3A_65 = arith.constant 0.000000e+00 : f32
      %broadcast_in_dim3A_66 = vector.broadcast %broadcast_in_dim3A_65 : f32 to vector<16xf32>
      %swap3A_67 = arith.index_cast %scan3A_44 : i32 to index
      %swap3A_68 = arith.constant 48 : index
      %swap3A_69 = tpu.vector_load %arg12[%swap3A_67, %swap3A_68] {strides = array<i32>} : memref<160x128xf32, #tpu.memory_space<vmem>>, vector<1x16xf32>,
      %swap3A_70 = vector.shape_cast %swap3A_69 : vector<1x16xf32> to vector<16xf32>
      %swap3A_71 = vector.shape_cast %broadcast_in_dim3A_66 : vector<16xf32> to vector<1x16xf32>
      tpu.vector_store %arg12[%swap3A_67, %swap3A_68], %swap3A_71 {strides = array<i32>} : memref<160x128xf32, #tpu.memory_space<vmem>>, vector<1x16xf32>,
      %broadcast_in_dim3A_72 = arith.constant 0.000000e+00 : f32
      %broadcast_in_dim3A_73 = vector.broadcast %broadcast_in_dim3A_72 : f32 to vector<16xf32>
      %swap3A_74 = arith.index_cast %scan3A_44 : i32 to index
      %swap3A_75 = arith.constant 64 : index
      %swap3A_76 = tpu.vector_load %arg12[%swap3A_74, %swap3A_75] {strides = array<i32>} : memref<160x128xf32, #tpu.memory_space<vmem>>, vector<1x16xf32>,
      %swap3A_77 = vector.shape_cast %swap3A_76 : vector<1x16xf32> to vector<16xf32>
      %swap3A_78 = vector.shape_cast %broadcast_in_dim3A_73 : vector<16xf32> to vector<1x16xf32>
      tpu.vector_store %arg12[%swap3A_74, %swap3A_75], %swap3A_78 {strides = array<i32>} : memref<160x128xf32, #tpu.memory_space<vmem>>, vector<1x16xf32>,
      %broadcast_in_dim3A_79 = arith.constant 0.000000e+00 : f32
      %broadcast_in_dim3A_80 = vector.broadcast %broadcast_in_dim3A_79 : f32 to vector<16xf32>
      %swap3A_81 = arith.index_cast %scan3A_44 : i32 to index
      %swap3A_82 = arith.constant 80 : index
      %swap3A_83 = tpu.vector_load %arg12[%swap3A_81, %swap3A_82] {strides = array<i32>} : memref<160x128xf32, #tpu.memory_space<vmem>>, vector<1x16xf32>,
      %swap3A_84 = vector.shape_cast %swap3A_83 : vector<1x16xf32> to vector<16xf32>
      %swap3A_85 = vector.shape_cast %broadcast_in_dim3A_80 : vector<16xf32> to vector<1x16xf32>
      tpu.vector_store %arg12[%swap3A_81, %swap3A_82], %swap3A_85 {strides = array<i32>} : memref<160x128xf32, #tpu.memory_space<vmem>>, vector<1x16xf32>,
      %broadcast_in_dim3A_86 = arith.constant 0.000000e+00 : f32
      %broadcast_in_dim3A_87 = vector.broadcast %broadcast_in_dim3A_86 : f32 to vector<16xf32>
      %swap3A_88 = arith.index_cast %scan3A_44 : i32 to index
      %swap3A_89 = arith.constant 96 : index
      %swap3A_90 = tpu.vector_load %arg12[%swap3A_88, %swap3A_89] {strides = array<i32>} : memref<160x128xf32, #tpu.memory_space<vmem>>, vector<1x16xf32>,
      %swap3A_91 = vector.shape_cast %swap3A_90 : vector<1x16xf32> to vector<16xf32>
      %swap3A_92 = vector.shape_cast %broadcast_in_dim3A_87 : vector<16xf32> to vector<1x16xf32>
      tpu.vector_store %arg12[%swap3A_88, %swap3A_89], %swap3A_92 {strides = array<i32>} : memref<160x128xf32, #tpu.memory_space<vmem>>, vector<1x16xf32>,
      %broadcast_in_dim3A_93 = arith.constant 0.000000e+00 : f32
      %broadcast_in_dim3A_94 = vector.broadcast %broadcast_in_dim3A_93 : f32 to vector<16xf32>
      %swap3A_95 = arith.index_cast %scan3A_44 : i32 to index
      %swap3A_96 = arith.constant 112 : index
      %swap3A_97 = tpu.vector_load %arg12[%swap3A_95, %swap3A_96] {strides = array<i32>} : memref<160x128xf32, #tpu.memory_space<vmem>>, vector<1x16xf32>,
      %swap3A_98 = vector.shape_cast %swap3A_97 : vector<1x16xf32> to vector<16xf32>
      %swap3A_99 = vector.shape_cast %broadcast_in_dim3A_94 : vector<16xf32> to vector<1x16xf32>
      tpu.vector_store %arg12[%swap3A_95, %swap3A_96], %swap3A_99 {strides = array<i32>} : memref<160x128xf32, #tpu.memory_space<vmem>>, vector<1x16xf32>,
      %scan3A_100 = arith.constant 0 : i32
      scf.yield %scan3A_100 : i32
    }
    %scan3A_5 = arith.constant 160 : i32
    %mul3A = arith.constant 640 : i32
    %mul3A_6 = arith.muli %arg1, %mul3A : i32
    %add3A = arith.constant 0 : i32
    %add3A_7 = arith.addi %mul3A_6, %add3A : i32
    "tpu.region"() ({
      %run_scoped3A = tpu.sem_alloc : memref<!tpu.dma_semaphore, #tpu.memory_space<semaphore_mem>>
      %dma_start3A = arith.constant 0 : i32
      %dma_start3A_44 = arith.constant 0 : i32
      %dma_start3A_45 = tpu.memref_slice %arg12[%dma_start3A, %dma_start3A_44] : memref<160x128xf32, #tpu.memory_space<vmem>> -> memref<160x128xf32, #tpu.memory_space<vmem>>
      %dma_start3A_46 = arith.constant 0 : i32
      %dma_start3A_47 = tpu.memref_slice %arg9[%add3A_7, %dma_start3A_46] : memref<10240x128xf32, #tpu.memory_space<vmem_shared>> -> memref<160x128xf32, #tpu.memory_space<vmem_shared>>
      %dma_start3A_48 = arith.constant 0 : i32
      %dma_start3A_49 = tpu.memref_slice %arg9[%add3A_7, %dma_start3A_48] : memref<10240x128xf32, #tpu.memory_space<vmem_shared>> -> memref<160x128xf32, #tpu.memory_space<vmem_shared>>
      %dma_start3A_50 = arith.constant 0 : i32
      %dma_start3A_51 = arith.constant 0 : i32
      %dma_start3A_52 = tpu.memref_slice %arg12[%dma_start3A_50, %dma_start3A_51] : memref<160x128xf32, #tpu.memory_space<vmem>> -> memref<160x128xf32, #tpu.memory_space<vmem>>
      tpu.enqueue_dma source(%dma_start3A_52 : memref<160x128xf32, #tpu.memory_space<vmem>>) target(%dma_start3A_49 : memref<160x128xf32, #tpu.memory_space<vmem_shared>>) target_semaphore(%run_scoped3A : memref<!tpu.dma_semaphore, #tpu.memory_space<semaphore_mem>>)
      %dma_wait3A = arith.constant 0 : i32
      %dma_wait3A_53 = arith.constant 0 : i32
      %dma_wait3A_54 = tpu.memref_slice %arg12[%dma_wait3A, %dma_wait3A_53] : memref<160x128xf32, #tpu.memory_space<vmem>> -> memref<160x128xf32, #tpu.memory_space<vmem>>
      %dma_wait3A_55 = arith.constant 0 : i32
      %dma_wait3A_56 = tpu.memref_slice %arg9[%add3A_7, %dma_wait3A_55] : memref<10240x128xf32, #tpu.memory_space<vmem_shared>> -> memref<160x128xf32, #tpu.memory_space<vmem_shared>>
      %dma_wait3A_57 = arith.constant 0 : i32
      %dma_wait3A_58 = tpu.memref_slice %arg9[%add3A_7, %dma_wait3A_57] : memref<10240x128xf32, #tpu.memory_space<vmem_shared>> -> memref<160x128xf32, #tpu.memory_space<vmem_shared>>
      %dma_wait3A_59 = arith.constant 0 : i32
      %dma_wait3A_60 = arith.constant 0 : i32
      %dma_wait3A_61 = tpu.memref_slice %arg12[%dma_wait3A_59, %dma_wait3A_60] : memref<160x128xf32, #tpu.memory_space<vmem>> -> memref<160x128xf32, #tpu.memory_space<vmem>>
      tpu.wait_dma2 semaphore(%run_scoped3A : memref<!tpu.dma_semaphore, #tpu.memory_space<semaphore_mem>>) src(%dma_wait3A_61 : memref<160x128xf32, #tpu.memory_space<vmem>>) dst(%dma_wait3A_58 : memref<160x128xf32, #tpu.memory_space<vmem_shared>>)
      tpu.yield
    }) : () -> ()
    %add3A_8 = arith.constant 160 : i32
    %add3A_9 = arith.addi %mul3A_6, %add3A_8 : i32
    "tpu.region"() ({
      %run_scoped3A = tpu.sem_alloc : memref<!tpu.dma_semaphore, #tpu.memory_space<semaphore_mem>>
      %dma_start3A = arith.constant 0 : i32
      %dma_start3A_44 = arith.constant 0 : i32
      %dma_start3A_45 = tpu.memref_slice %arg12[%dma_start3A, %dma_start3A_44] : memref<160x128xf32, #tpu.memory_space<vmem>> -> memref<160x128xf32, #tpu.memory_space<vmem>>
      %dma_start3A_46 = arith.constant 0 : i32
      %dma_start3A_47 = tpu.memref_slice %arg9[%add3A_9, %dma_start3A_46] : memref<10240x128xf32, #tpu.memory_space<vmem_shared>> -> memref<160x128xf32, #tpu.memory_space<vmem_shared>>
      %dma_start3A_48 = arith.constant 0 : i32
      %dma_start3A_49 = tpu.memref_slice %arg9[%add3A_9, %dma_start3A_48] : memref<10240x128xf32, #tpu.memory_space<vmem_shared>> -> memref<160x128xf32, #tpu.memory_space<vmem_shared>>
      %dma_start3A_50 = arith.constant 0 : i32
      %dma_start3A_51 = arith.constant 0 : i32
      %dma_start3A_52 = tpu.memref_slice %arg12[%dma_start3A_50, %dma_start3A_51] : memref<160x128xf32, #tpu.memory_space<vmem>> -> memref<160x128xf32, #tpu.memory_space<vmem>>
      tpu.enqueue_dma source(%dma_start3A_52 : memref<160x128xf32, #tpu.memory_space<vmem>>) target(%dma_start3A_49 : memref<160x128xf32, #tpu.memory_space<vmem_shared>>) target_semaphore(%run_scoped3A : memref<!tpu.dma_semaphore, #tpu.memory_space<semaphore_mem>>)
      %dma_wait3A = arith.constant 0 : i32
      %dma_wait3A_53 = arith.constant 0 : i32
      %dma_wait3A_54 = tpu.memref_slice %arg12[%dma_wait3A, %dma_wait3A_53] : memref<160x128xf32, #tpu.memory_space<vmem>> -> memref<160x128xf32, #tpu.memory_space<vmem>>
      %dma_wait3A_55 = arith.constant 0 : i32
      %dma_wait3A_56 = tpu.memref_slice %arg9[%add3A_9, %dma_wait3A_55] : memref<10240x128xf32, #tpu.memory_space<vmem_shared>> -> memref<160x128xf32, #tpu.memory_space<vmem_shared>>
      %dma_wait3A_57 = arith.constant 0 : i32
      %dma_wait3A_58 = tpu.memref_slice %arg9[%add3A_9, %dma_wait3A_57] : memref<10240x128xf32, #tpu.memory_space<vmem_shared>> -> memref<160x128xf32, #tpu.memory_space<vmem_shared>>
      %dma_wait3A_59 = arith.constant 0 : i32
      %dma_wait3A_60 = arith.constant 0 : i32
      %dma_wait3A_61 = tpu.memref_slice %arg12[%dma_wait3A_59, %dma_wait3A_60] : memref<160x128xf32, #tpu.memory_space<vmem>> -> memref<160x128xf32, #tpu.memory_space<vmem>>
      tpu.wait_dma2 semaphore(%run_scoped3A : memref<!tpu.dma_semaphore, #tpu.memory_space<semaphore_mem>>) src(%dma_wait3A_61 : memref<160x128xf32, #tpu.memory_space<vmem>>) dst(%dma_wait3A_58 : memref<160x128xf32, #tpu.memory_space<vmem_shared>>)
      tpu.yield
    }) : () -> ()
    %add3A_10 = arith.constant 320 : i32
    %add3A_11 = arith.addi %mul3A_6, %add3A_10 : i32
    "tpu.region"() ({
      %run_scoped3A = tpu.sem_alloc : memref<!tpu.dma_semaphore, #tpu.memory_space<semaphore_mem>>
      %dma_start3A = arith.constant 0 : i32
      %dma_start3A_44 = arith.constant 0 : i32
      %dma_start3A_45 = tpu.memref_slice %arg12[%dma_start3A, %dma_start3A_44] : memref<160x128xf32, #tpu.memory_space<vmem>> -> memref<160x128xf32, #tpu.memory_space<vmem>>
      %dma_start3A_46 = arith.constant 0 : i32
      %dma_start3A_47 = tpu.memref_slice %arg9[%add3A_11, %dma_start3A_46] : memref<10240x128xf32, #tpu.memory_space<vmem_shared>> -> memref<160x128xf32, #tpu.memory_space<vmem_shared>>
      %dma_start3A_48 = arith.constant 0 : i32
      %dma_start3A_49 = tpu.memref_slice %arg9[%add3A_11, %dma_start3A_48] : memref<10240x128xf32, #tpu.memory_space<vmem_shared>> -> memref<160x128xf32, #tpu.memory_space<vmem_shared>>
      %dma_start3A_50 = arith.constant 0 : i32
      %dma_start3A_51 = arith.constant 0 : i32
      %dma_start3A_52 = tpu.memref_slice %arg12[%dma_start3A_50, %dma_start3A_51] : memref<160x128xf32, #tpu.memory_space<vmem>> -> memref<160x128xf32, #tpu.memory_space<vmem>>
      tpu.enqueue_dma source(%dma_start3A_52 : memref<160x128xf32, #tpu.memory_space<vmem>>) target(%dma_start3A_49 : memref<160x128xf32, #tpu.memory_space<vmem_shared>>) target_semaphore(%run_scoped3A : memref<!tpu.dma_semaphore, #tpu.memory_space<semaphore_mem>>)
      %dma_wait3A = arith.constant 0 : i32
      %dma_wait3A_53 = arith.constant 0 : i32
      %dma_wait3A_54 = tpu.memref_slice %arg12[%dma_wait3A, %dma_wait3A_53] : memref<160x128xf32, #tpu.memory_space<vmem>> -> memref<160x128xf32, #tpu.memory_space<vmem>>
      %dma_wait3A_55 = arith.constant 0 : i32
      %dma_wait3A_56 = tpu.memref_slice %arg9[%add3A_11, %dma_wait3A_55] : memref<10240x128xf32, #tpu.memory_space<vmem_shared>> -> memref<160x128xf32, #tpu.memory_space<vmem_shared>>
      %dma_wait3A_57 = arith.constant 0 : i32
      %dma_wait3A_58 = tpu.memref_slice %arg9[%add3A_11, %dma_wait3A_57] : memref<10240x128xf32, #tpu.memory_space<vmem_shared>> -> memref<160x128xf32, #tpu.memory_space<vmem_shared>>
      %dma_wait3A_59 = arith.constant 0 : i32
      %dma_wait3A_60 = arith.constant 0 : i32
      %dma_wait3A_61 = tpu.memref_slice %arg12[%dma_wait3A_59, %dma_wait3A_60] : memref<160x128xf32, #tpu.memory_space<vmem>> -> memref<160x128xf32, #tpu.memory_space<vmem>>
      tpu.wait_dma2 semaphore(%run_scoped3A : memref<!tpu.dma_semaphore, #tpu.memory_space<semaphore_mem>>) src(%dma_wait3A_61 : memref<160x128xf32, #tpu.memory_space<vmem>>) dst(%dma_wait3A_58 : memref<160x128xf32, #tpu.memory_space<vmem_shared>>)
      tpu.yield
    }) : () -> ()
    %add3A_12 = arith.constant 480 : i32
    %add3A_13 = arith.addi %mul3A_6, %add3A_12 : i32
    "tpu.region"() ({
      %run_scoped3A = tpu.sem_alloc : memref<!tpu.dma_semaphore, #tpu.memory_space<semaphore_mem>>
      %dma_start3A = arith.constant 0 : i32
      %dma_start3A_44 = arith.constant 0 : i32
      %dma_start3A_45 = tpu.memref_slice %arg12[%dma_start3A, %dma_start3A_44] : memref<160x128xf32, #tpu.memory_space<vmem>> -> memref<160x128xf32, #tpu.memory_space<vmem>>
      %dma_start3A_46 = arith.constant 0 : i32
      %dma_start3A_47 = tpu.memref_slice %arg9[%add3A_13, %dma_start3A_46] : memref<10240x128xf32, #tpu.memory_space<vmem_shared>> -> memref<160x128xf32, #tpu.memory_space<vmem_shared>>
      %dma_start3A_48 = arith.constant 0 : i32
      %dma_start3A_49 = tpu.memref_slice %arg9[%add3A_13, %dma_start3A_48] : memref<10240x128xf32, #tpu.memory_space<vmem_shared>> -> memref<160x128xf32, #tpu.memory_space<vmem_shared>>
      %dma_start3A_50 = arith.constant 0 : i32
      %dma_start3A_51 = arith.constant 0 : i32
      %dma_start3A_52 = tpu.memref_slice %arg12[%dma_start3A_50, %dma_start3A_51] : memref<160x128xf32, #tpu.memory_space<vmem>> -> memref<160x128xf32, #tpu.memory_space<vmem>>
      tpu.enqueue_dma source(%dma_start3A_52 : memref<160x128xf32, #tpu.memory_space<vmem>>) target(%dma_start3A_49 : memref<160x128xf32, #tpu.memory_space<vmem_shared>>) target_semaphore(%run_scoped3A : memref<!tpu.dma_semaphore, #tpu.memory_space<semaphore_mem>>)
      %dma_wait3A = arith.constant 0 : i32
      %dma_wait3A_53 = arith.constant 0 : i32
      %dma_wait3A_54 = tpu.memref_slice %arg12[%dma_wait3A, %dma_wait3A_53] : memref<160x128xf32, #tpu.memory_space<vmem>> -> memref<160x128xf32, #tpu.memory_space<vmem>>
      %dma_wait3A_55 = arith.constant 0 : i32
      %dma_wait3A_56 = tpu.memref_slice %arg9[%add3A_13, %dma_wait3A_55] : memref<10240x128xf32, #tpu.memory_space<vmem_shared>> -> memref<160x128xf32, #tpu.memory_space<vmem_shared>>
      %dma_wait3A_57 = arith.constant 0 : i32
      %dma_wait3A_58 = tpu.memref_slice %arg9[%add3A_13, %dma_wait3A_57] : memref<10240x128xf32, #tpu.memory_space<vmem_shared>> -> memref<160x128xf32, #tpu.memory_space<vmem_shared>>
      %dma_wait3A_59 = arith.constant 0 : i32
      %dma_wait3A_60 = arith.constant 0 : i32
      %dma_wait3A_61 = tpu.memref_slice %arg12[%dma_wait3A_59, %dma_wait3A_60] : memref<160x128xf32, #tpu.memory_space<vmem>> -> memref<160x128xf32, #tpu.memory_space<vmem>>
      tpu.wait_dma2 semaphore(%run_scoped3A : memref<!tpu.dma_semaphore, #tpu.memory_space<semaphore_mem>>) src(%dma_wait3A_61 : memref<160x128xf32, #tpu.memory_space<vmem>>) dst(%dma_wait3A_58 : memref<160x128xf32, #tpu.memory_space<vmem_shared>>)
      tpu.yield
    }) : () -> ()
    %barrier3A = arith.constant 0 : index
    tpu.barrier barrier_id(%barrier3A)
    %get3A = arith.constant 0 : index
    %get3A_14 = tpu.vector_load %arg14[%get3A] {strides = array<i32>} : memref<16xf32, #tpu.memory_space<vmem>>, vector<16xf32>,
    %get3A_15 = vector.shape_cast %get3A_14 : vector<16xf32> to vector<16xf32>
    %mul3A_16 = arith.constant 125 : i32
    %mul3A_17 = arith.muli %arg1, %mul3A_16 : i32
    %mul3A_18 = arith.constant 64 : i32
    %mul3A_19 = arith.muli %arg0, %mul3A_18 : i32
    %scan3A_20 = arith.constant 0 : i32
    %scan3A_21 = arith.constant 0 : i32
    %scan3A_22 = arith.constant 125 : i32
    %scan3A_23 = arith.addi %scan3A_21, %scan3A_22 : i32
    %scan3A_24 = arith.constant 1 : i32
    %scan3A_25 = scf.for %scan3A_44 = %scan3A_21 to %scan3A_23 step %scan3A_24 iter_args(%scan3A_45 = %scan3A_20) -> (i32)  : i32 {
      %add3A_46 = arith.addi %mul3A_17, %scan3A_44 : i32
      "tpu.region"() ({
        %run_scoped3A_101 = tpu.sem_alloc : memref<!tpu.dma_semaphore, #tpu.memory_space<semaphore_mem>>
        %dma_start3A_102 = arith.constant 0 : i32
        %dma_start3A_103 = arith.constant 0 : i32
        %dma_start3A_104 = tpu.memref_slice %arg5[%add3A_46, %dma_start3A_102, %dma_start3A_103] : memref<2000x2x80xi32, #tpu.memory_space<hbm>> -> memref<1x2x80xi32, #tpu.memory_space<hbm>>
        %dma_start3A_105 = tpu.memref_squeeze %dma_start3A_104 : memref<1x2x80xi32, #tpu.memory_space<hbm>> -> memref<2x80xi32, #tpu.memory_space<hbm>>
        %dma_start3A_106 = arith.constant 0 : i32
        %dma_start3A_107 = arith.constant 0 : i32
        %dma_start3A_108 = tpu.memref_slice %arg5[%add3A_46, %dma_start3A_106, %dma_start3A_107] : memref<2000x2x80xi32, #tpu.memory_space<hbm>> -> memref<1x2x80xi32, #tpu.memory_space<hbm>>
        %dma_start3A_109 = tpu.memref_squeeze %dma_start3A_108 : memref<1x2x80xi32, #tpu.memory_space<hbm>> -> memref<2x80xi32, #tpu.memory_space<hbm>>
        tpu.enqueue_dma source(%dma_start3A_109 : memref<2x80xi32, #tpu.memory_space<hbm>>) target(%arg10 : memref<2x80xi32, #tpu.memory_space<vmem>>) target_semaphore(%run_scoped3A_101 : memref<!tpu.dma_semaphore, #tpu.memory_space<semaphore_mem>>)
        %dma_wait3A_110 = arith.constant 0 : i32
        %dma_wait3A_111 = arith.constant 0 : i32
        %dma_wait3A_112 = tpu.memref_slice %arg5[%add3A_46, %dma_wait3A_110, %dma_wait3A_111] : memref<2000x2x80xi32, #tpu.memory_space<hbm>> -> memref<1x2x80xi32, #tpu.memory_space<hbm>>
        %dma_wait3A_113 = tpu.memref_squeeze %dma_wait3A_112 : memref<1x2x80xi32, #tpu.memory_space<hbm>> -> memref<2x80xi32, #tpu.memory_space<hbm>>
        %dma_wait3A_114 = arith.constant 0 : i32
        %dma_wait3A_115 = arith.constant 0 : i32
        %dma_wait3A_116 = tpu.memref_slice %arg5[%add3A_46, %dma_wait3A_114, %dma_wait3A_115] : memref<2000x2x80xi32, #tpu.memory_space<hbm>> -> memref<1x2x80xi32, #tpu.memory_space<hbm>>
        %dma_wait3A_117 = tpu.memref_squeeze %dma_wait3A_116 : memref<1x2x80xi32, #tpu.memory_space<hbm>> -> memref<2x80xi32, #tpu.memory_space<hbm>>
        tpu.wait_dma2 semaphore(%run_scoped3A_101 : memref<!tpu.dma_semaphore, #tpu.memory_space<semaphore_mem>>) src(%dma_wait3A_117 : memref<2x80xi32, #tpu.memory_space<hbm>>) dst(%arg10 : memref<2x80xi32, #tpu.memory_space<vmem>>)
        tpu.yield
      }) : () -> ()
      "tpu.region"() ({
        %run_scoped3A_101 = tpu.sem_alloc : memref<!tpu.dma_semaphore, #tpu.memory_space<semaphore_mem>>
        %dma_start3A_102 = arith.constant 0 : i32
        %dma_start3A_103 = arith.constant 0 : i32
        %dma_start3A_104 = tpu.memref_slice %arg6[%add3A_46, %dma_start3A_102, %dma_start3A_103] : memref<2000x2x80xi32, #tpu.memory_space<hbm>> -> memref<1x2x80xi32, #tpu.memory_space<hbm>>
        %dma_start3A_105 = tpu.memref_squeeze %dma_start3A_104 : memref<1x2x80xi32, #tpu.memory_space<hbm>> -> memref<2x80xi32, #tpu.memory_space<hbm>>
        %dma_start3A_106 = arith.constant 0 : i32
        %dma_start3A_107 = arith.constant 0 : i32
        %dma_start3A_108 = tpu.memref_slice %arg6[%add3A_46, %dma_start3A_106, %dma_start3A_107] : memref<2000x2x80xi32, #tpu.memory_space<hbm>> -> memref<1x2x80xi32, #tpu.memory_space<hbm>>
        %dma_start3A_109 = tpu.memref_squeeze %dma_start3A_108 : memref<1x2x80xi32, #tpu.memory_space<hbm>> -> memref<2x80xi32, #tpu.memory_space<hbm>>
        tpu.enqueue_dma source(%dma_start3A_109 : memref<2x80xi32, #tpu.memory_space<hbm>>) target(%arg11 : memref<2x80xi32, #tpu.memory_space<vmem>>) target_semaphore(%run_scoped3A_101 : memref<!tpu.dma_semaphore, #tpu.memory_space<semaphore_mem>>)
        %dma_wait3A_110 = arith.constant 0 : i32
        %dma_wait3A_111 = arith.constant 0 : i32
        %dma_wait3A_112 = tpu.memref_slice %arg6[%add3A_46, %dma_wait3A_110, %dma_wait3A_111] : memref<2000x2x80xi32, #tpu.memory_space<hbm>> -> memref<1x2x80xi32, #tpu.memory_space<hbm>>
        %dma_wait3A_113 = tpu.memref_squeeze %dma_wait3A_112 : memref<1x2x80xi32, #tpu.memory_space<hbm>> -> memref<2x80xi32, #tpu.memory_space<hbm>>
        %dma_wait3A_114 = arith.constant 0 : i32
        %dma_wait3A_115 = arith.constant 0 : i32
        %dma_wait3A_116 = tpu.memref_slice %arg6[%add3A_46, %dma_wait3A_114, %dma_wait3A_115] : memref<2000x2x80xi32, #tpu.memory_space<hbm>> -> memref<1x2x80xi32, #tpu.memory_space<hbm>>
        %dma_wait3A_117 = tpu.memref_squeeze %dma_wait3A_116 : memref<1x2x80xi32, #tpu.memory_space<hbm>> -> memref<2x80xi32, #tpu.memory_space<hbm>>
        tpu.wait_dma2 semaphore(%run_scoped3A_101 : memref<!tpu.dma_semaphore, #tpu.memory_space<semaphore_mem>>) src(%dma_wait3A_117 : memref<2x80xi32, #tpu.memory_space<hbm>>) dst(%arg11 : memref<2x80xi32, #tpu.memory_space<vmem>>)
        tpu.yield
      }) : () -> ()
      %dma_start3A = arith.constant 0 : i32
      %dma_start3A_47 = arith.constant 0 : i32
      %dma_start3A_48 = arith.constant 0 : i32
      %dma_start3A_49 = tpu.memref_slice %arg12[%dma_start3A_47, %dma_start3A_48] : memref<160x128xf32, #tpu.memory_space<vmem>> -> memref<80x128xf32, #tpu.memory_space<vmem>>
      %dma_start3A_50 = arith.constant 0 : i32
      %dma_start3A_51 = tpu.memref_slice %arg10[%dma_start3A, %dma_start3A_50] : memref<2x80xi32, #tpu.memory_space<vmem>> -> memref<1x80xi32, #tpu.memory_space<vmem>>
      %dma_start3A_52 = tpu.memref_squeeze %dma_start3A_51 : memref<1x80xi32, #tpu.memory_space<vmem>> -> memref<80xi32, #tpu.memory_space<vmem>>
      %dma_start3A_53 = arith.constant 0 : i32
      %dma_start3A_54 = arith.constant 0 : i32
      %dma_start3A_55 = tpu.memref_slice %arg2[%dma_start3A_53, %dma_start3A_54] : memref<10000x128xf32, #tpu.memory_space<hbm>> -> memref<10000x128xf32, #tpu.memory_space<hbm>>
      tpu.enqueue_indirect_dma source(%dma_start3A_55 : memref<10000x128xf32, #tpu.memory_space<hbm>>) target(%dma_start3A_49 : memref<80x128xf32, #tpu.memory_space<vmem>>) offsets(%dma_start3A_52 : memref<80xi32, #tpu.memory_space<vmem>>) semaphore(%arg15 : memref<!tpu.dma_semaphore, #tpu.memory_space<semaphore_mem>>)
      %dma_start3A_56 = arith.constant 1 : i32
      %dma_start3A_57 = arith.constant 80 : i32
      %dma_start3A_58 = arith.constant 0 : i32
      %dma_start3A_59 = tpu.memref_slice %arg12[%dma_start3A_57, %dma_start3A_58] : memref<160x128xf32, #tpu.memory_space<vmem>> -> memref<80x128xf32, #tpu.memory_space<vmem>>
      %dma_start3A_60 = arith.constant 0 : i32
      %dma_start3A_61 = tpu.memref_slice %arg10[%dma_start3A_56, %dma_start3A_60] : memref<2x80xi32, #tpu.memory_space<vmem>> -> memref<1x80xi32, #tpu.memory_space<vmem>>
      %dma_start3A_62 = tpu.memref_squeeze %dma_start3A_61 : memref<1x80xi32, #tpu.memory_space<vmem>> -> memref<80xi32, #tpu.memory_space<vmem>>
      %dma_start3A_63 = arith.constant 0 : i32
      %dma_start3A_64 = arith.constant 0 : i32
      %dma_start3A_65 = tpu.memref_slice %arg2[%dma_start3A_63, %dma_start3A_64] : memref<10000x128xf32, #tpu.memory_space<hbm>> -> memref<10000x128xf32, #tpu.memory_space<hbm>>
      tpu.enqueue_indirect_dma source(%dma_start3A_65 : memref<10000x128xf32, #tpu.memory_space<hbm>>) target(%dma_start3A_59 : memref<80x128xf32, #tpu.memory_space<vmem>>) offsets(%dma_start3A_62 : memref<80xi32, #tpu.memory_space<vmem>>) semaphore(%arg15 : memref<!tpu.dma_semaphore, #tpu.memory_space<semaphore_mem>>)
      %dma_wait3A = arith.constant 0 : i32
      %dma_wait3A_66 = arith.constant 0 : i32
      %dma_wait3A_67 = arith.constant 0 : i32
      %dma_wait3A_68 = tpu.memref_slice %arg12[%dma_wait3A_66, %dma_wait3A_67] : memref<160x128xf32, #tpu.memory_space<vmem>> -> memref<80x128xf32, #tpu.memory_space<vmem>>
      %dma_wait3A_69 = arith.constant 0 : i32
      %dma_wait3A_70 = tpu.memref_slice %arg10[%dma_wait3A, %dma_wait3A_69] : memref<2x80xi32, #tpu.memory_space<vmem>> -> memref<1x80xi32, #tpu.memory_space<vmem>>
      %dma_wait3A_71 = tpu.memref_squeeze %dma_wait3A_70 : memref<1x80xi32, #tpu.memory_space<vmem>> -> memref<80xi32, #tpu.memory_space<vmem>>
      %dma_wait3A_72 = arith.constant 0 : i32
      %dma_wait3A_73 = arith.constant 0 : i32
      %dma_wait3A_74 = tpu.memref_slice %arg2[%dma_wait3A_72, %dma_wait3A_73] : memref<10000x128xf32, #tpu.memory_space<hbm>> -> memref<10000x128xf32, #tpu.memory_space<hbm>>
      tpu.wait_indirect_dma semaphore(%arg15 : memref<!tpu.dma_semaphore, #tpu.memory_space<semaphore_mem>>) src(%dma_wait3A_74 : memref<10000x128xf32, #tpu.memory_space<hbm>>) dst(%dma_wait3A_68 : memref<80x128xf32, #tpu.memory_space<vmem>>)
      %dma_wait3A_75 = arith.constant 1 : i32
      %dma_wait3A_76 = arith.constant 80 : i32
      %dma_wait3A_77 = arith.constant 0 : i32
      %dma_wait3A_78 = tpu.memref_slice %arg12[%dma_wait3A_76, %dma_wait3A_77] : memref<160x128xf32, #tpu.memory_space<vmem>> -> memref<80x128xf32, #tpu.memory_space<vmem>>
      %dma_wait3A_79 = arith.constant 0 : i32
      %dma_wait3A_80 = tpu.memref_slice %arg10[%dma_wait3A_75, %dma_wait3A_79] : memref<2x80xi32, #tpu.memory_space<vmem>> -> memref<1x80xi32, #tpu.memory_space<vmem>>
      %dma_wait3A_81 = tpu.memref_squeeze %dma_wait3A_80 : memref<1x80xi32, #tpu.memory_space<vmem>> -> memref<80xi32, #tpu.memory_space<vmem>>
      %dma_wait3A_82 = arith.constant 0 : i32
      %dma_wait3A_83 = arith.constant 0 : i32
      %dma_wait3A_84 = tpu.memref_slice %arg2[%dma_wait3A_82, %dma_wait3A_83] : memref<10000x128xf32, #tpu.memory_space<hbm>> -> memref<10000x128xf32, #tpu.memory_space<hbm>>
      tpu.wait_indirect_dma semaphore(%arg15 : memref<!tpu.dma_semaphore, #tpu.memory_space<semaphore_mem>>) src(%dma_wait3A_84 : memref<10000x128xf32, #tpu.memory_space<hbm>>) dst(%dma_wait3A_78 : memref<80x128xf32, #tpu.memory_space<vmem>>)
      %eq3A = arith.constant 0 : i32
      %eq3A_85 = arith.cmpi eq, %arg0, %eq3A : i32
      %convert_element_type3A = arith.extui %eq3A_85 : i1 to i32
      %cond3A = arith.constant 0 : i32
      %cond3A_86 = arith.cmpi ne, %convert_element_type3A, %cond3A : i32
      scf.if %cond3A_86 {
        %mul3A_101 = arith.constant 20000 : i32
        %mul3A_102 = arith.muli %arg1, %mul3A_101 : i32
        %mul3A_103 = arith.constant 160 : i32
        %mul3A_104 = arith.muli %scan3A_44, %mul3A_103 : i32
        %add3A_105 = arith.addi %mul3A_102, %mul3A_104 : i32
        "tpu.region"() ({
          %run_scoped3A_106 = tpu.sem_alloc : memref<!tpu.dma_semaphore, #tpu.memory_space<semaphore_mem>>
          %dma_start3A_107 = arith.constant 0 : i32
          %dma_start3A_108 = tpu.memref_slice %arg3[%add3A_105, %dma_start3A_107] : memref<320000x64xf32, #tpu.memory_space<hbm>> -> memref<160x64xf32, #tpu.memory_space<hbm>>
          %dma_start3A_109 = arith.constant 0 : i32
          %dma_start3A_110 = tpu.memref_slice %arg3[%add3A_105, %dma_start3A_109] : memref<320000x64xf32, #tpu.memory_space<hbm>> -> memref<160x64xf32, #tpu.memory_space<hbm>>
          tpu.enqueue_dma source(%dma_start3A_110 : memref<160x64xf32, #tpu.memory_space<hbm>>) target(%arg13 : memref<160x64xf32, #tpu.memory_space<vmem>>) target_semaphore(%run_scoped3A_106 : memref<!tpu.dma_semaphore, #tpu.memory_space<semaphore_mem>>)
          %dma_wait3A_111 = arith.constant 0 : i32
          %dma_wait3A_112 = tpu.memref_slice %arg3[%add3A_105, %dma_wait3A_111] : memref<320000x64xf32, #tpu.memory_space<hbm>> -> memref<160x64xf32, #tpu.memory_space<hbm>>
          %dma_wait3A_113 = arith.constant 0 : i32
          %dma_wait3A_114 = tpu.memref_slice %arg3[%add3A_105, %dma_wait3A_113] : memref<320000x64xf32, #tpu.memory_space<hbm>> -> memref<160x64xf32, #tpu.memory_space<hbm>>
          tpu.wait_dma2 semaphore(%run_scoped3A_106 : memref<!tpu.dma_semaphore, #tpu.memory_space<semaphore_mem>>) src(%dma_wait3A_114 : memref<160x64xf32, #tpu.memory_space<hbm>>) dst(%arg13 : memref<160x64xf32, #tpu.memory_space<vmem>>)
          tpu.yield
        }) : () -> ()
      } else {
      }
      %eq3A_87 = arith.constant 1 : i32
      %eq3A_88 = arith.cmpi eq, %arg0, %eq3A_87 : i32
      %convert_element_type3A_89 = arith.extui %eq3A_88 : i1 to i32
      %cond3A_90 = arith.constant 0 : i32
      %cond3A_91 = arith.cmpi ne, %convert_element_type3A_89, %cond3A_90 : i32
      scf.if %cond3A_91 {
        %mul3A_101 = arith.constant 20000 : i32
        %mul3A_102 = arith.muli %arg1, %mul3A_101 : i32
        %mul3A_103 = arith.constant 160 : i32
        %mul3A_104 = arith.muli %scan3A_44, %mul3A_103 : i32
        %add3A_105 = arith.addi %mul3A_102, %mul3A_104 : i32
        "tpu.region"() ({
          %run_scoped3A_106 = tpu.sem_alloc : memref<!tpu.dma_semaphore, #tpu.memory_space<semaphore_mem>>
          %dma_start3A_107 = arith.constant 0 : i32
          %dma_start3A_108 = tpu.memref_slice %arg4[%add3A_105, %dma_start3A_107] : memref<320000x64xf32, #tpu.memory_space<hbm>> -> memref<160x64xf32, #tpu.memory_space<hbm>>
          %dma_start3A_109 = arith.constant 0 : i32
          %dma_start3A_110 = tpu.memref_slice %arg4[%add3A_105, %dma_start3A_109] : memref<320000x64xf32, #tpu.memory_space<hbm>> -> memref<160x64xf32, #tpu.memory_space<hbm>>
          tpu.enqueue_dma source(%dma_start3A_110 : memref<160x64xf32, #tpu.memory_space<hbm>>) target(%arg13 : memref<160x64xf32, #tpu.memory_space<vmem>>) target_semaphore(%run_scoped3A_106 : memref<!tpu.dma_semaphore, #tpu.memory_space<semaphore_mem>>)
          %dma_wait3A_111 = arith.constant 0 : i32
          %dma_wait3A_112 = tpu.memref_slice %arg4[%add3A_105, %dma_wait3A_111] : memref<320000x64xf32, #tpu.memory_space<hbm>> -> memref<160x64xf32, #tpu.memory_space<hbm>>
          %dma_wait3A_113 = arith.constant 0 : i32
          %dma_wait3A_114 = tpu.memref_slice %arg4[%add3A_105, %dma_wait3A_113] : memref<320000x64xf32, #tpu.memory_space<hbm>> -> memref<160x64xf32, #tpu.memory_space<hbm>>
          tpu.wait_dma2 semaphore(%run_scoped3A_106 : memref<!tpu.dma_semaphore, #tpu.memory_space<semaphore_mem>>) src(%dma_wait3A_114 : memref<160x64xf32, #tpu.memory_space<hbm>>) dst(%arg13 : memref<160x64xf32, #tpu.memory_space<vmem>>)
          tpu.yield
        }) : () -> ()
      } else {
      }
      %scan3A_92 = arith.constant 0 : i32
      %scan3A_93 = arith.constant 0 : i32
      %scan3A_94 = arith.constant 160 : i32
      %scan3A_95 = arith.addi %scan3A_93, %scan3A_94 : i32
      %scan3A_96 = arith.constant 1 : i32
      %scan3A_97 = scf.for %scan3A_101 = %scan3A_93 to %scan3A_95 step %scan3A_96 iter_args(%scan3A_102 = %scan3A_92) -> (i32)  : i32 {
        %add3A_103 = arith.constant 0 : i32
        %add3A_104 = arith.addi %mul3A_19, %add3A_103 : i32
        %get3A_105 = arith.index_cast %scan3A_101 : i32 to index
        %get3A_106 = arith.index_cast %add3A_104 : i32 to index
        %get3A_107 = tpu.vector_load %arg12[%get3A_105, %get3A_106] {strides = array<i32>} : memref<160x128xf32, #tpu.memory_space<vmem>>, vector<1x16xf32>,
        %get3A_108 = vector.shape_cast %get3A_107 : vector<1x16xf32> to vector<16xf32>
        %get3A_109 = arith.index_cast %scan3A_101 : i32 to index
        %get3A_110 = arith.constant 0 : index
        %get3A_111 = tpu.vector_load %arg13[%get3A_109, %get3A_110] {strides = array<i32>} : memref<160x64xf32, #tpu.memory_space<vmem>>, vector<1x16xf32>,
        %get3A_112 = vector.shape_cast %get3A_111 : vector<1x16xf32> to vector<16xf32>
        %add3A_113 = arith.addf %get3A_108, %get3A_112 : vector<16xf32>
        %max3A = arith.constant 0.000000e+00 : f32
        %max3A_114 = vector.broadcast %max3A : f32 to vector<16xf32>
        %max3A_115 = arith.maximumf %add3A_113, %max3A_114 : vector<16xf32>
        %add3A_116 = arith.constant 1.000000e-07 : f32
        %add3A_117 = vector.broadcast %add3A_116 : f32 to vector<16xf32>
        %add3A_118 = arith.addf %max3A_115, %add3A_117 : vector<16xf32>
        %mul3A_119 = arith.mulf %add3A_118, %get3A_15 : vector<16xf32>
        %exp3A = math.exp %mul3A_119 : vector<16xf32>
        %mul3A_120 = arith.mulf %exp3A, %add3A_118 : vector<16xf32>
        %swap3A = arith.index_cast %scan3A_101 : i32 to index
        %swap3A_121 = arith.constant 0 : index
        %swap3A_122 = tpu.vector_load %arg12[%swap3A, %swap3A_121] {strides = array<i32>} : memref<160x128xf32, #tpu.memory_space<vmem>>, vector<1x16xf32>,
        %swap3A_123 = vector.shape_cast %swap3A_122 : vector<1x16xf32> to vector<16xf32>
        %swap3A_124 = vector.shape_cast %mul3A_120 : vector<16xf32> to vector<1x16xf32>
        tpu.vector_store %arg12[%swap3A, %swap3A_121], %swap3A_124 {strides = array<i32>} : memref<160x128xf32, #tpu.memory_space<vmem>>, vector<1x16xf32>,
        %swap3A_125 = arith.index_cast %scan3A_101 : i32 to index
        %swap3A_126 = arith.constant 64 : index
        %swap3A_127 = tpu.vector_load %arg12[%swap3A_125, %swap3A_126] {strides = array<i32>} : memref<160x128xf32, #tpu.memory_space<vmem>>, vector<1x16xf32>,
        %swap3A_128 = vector.shape_cast %swap3A_127 : vector<1x16xf32> to vector<16xf32>
        %swap3A_129 = vector.shape_cast %exp3A : vector<16xf32> to vector<1x16xf32>
        tpu.vector_store %arg12[%swap3A_125, %swap3A_126], %swap3A_129 {strides = array<i32>} : memref<160x128xf32, #tpu.memory_space<vmem>>, vector<1x16xf32>,
        %add3A_130 = arith.constant 16 : i32
        %add3A_131 = arith.addi %mul3A_19, %add3A_130 : i32
        %get3A_132 = arith.index_cast %scan3A_101 : i32 to index
        %get3A_133 = arith.index_cast %add3A_131 : i32 to index
        %get3A_134 = tpu.vector_load %arg12[%get3A_132, %get3A_133] {strides = array<i32>} : memref<160x128xf32, #tpu.memory_space<vmem>>, vector<1x16xf32>,
        %get3A_135 = vector.shape_cast %get3A_134 : vector<1x16xf32> to vector<16xf32>
        %get3A_136 = arith.index_cast %scan3A_101 : i32 to index
        %get3A_137 = arith.constant 16 : index
        %get3A_138 = tpu.vector_load %arg13[%get3A_136, %get3A_137] {strides = array<i32>} : memref<160x64xf32, #tpu.memory_space<vmem>>, vector<1x16xf32>,
        %get3A_139 = vector.shape_cast %get3A_138 : vector<1x16xf32> to vector<16xf32>
        %add3A_140 = arith.addf %get3A_135, %get3A_139 : vector<16xf32>
        %max3A_141 = arith.constant 0.000000e+00 : f32
        %max3A_142 = vector.broadcast %max3A_141 : f32 to vector<16xf32>
        %max3A_143 = arith.maximumf %add3A_140, %max3A_142 : vector<16xf32>
        %add3A_144 = arith.constant 1.000000e-07 : f32
        %add3A_145 = vector.broadcast %add3A_144 : f32 to vector<16xf32>
        %add3A_146 = arith.addf %max3A_143, %add3A_145 : vector<16xf32>
        %mul3A_147 = arith.mulf %add3A_146, %get3A_15 : vector<16xf32>
        %exp3A_148 = math.exp %mul3A_147 : vector<16xf32>
        %mul3A_149 = arith.mulf %exp3A_148, %add3A_146 : vector<16xf32>
        %swap3A_150 = arith.index_cast %scan3A_101 : i32 to index
        %swap3A_151 = arith.constant 16 : index
        %swap3A_152 = tpu.vector_load %arg12[%swap3A_150, %swap3A_151] {strides = array<i32>} : memref<160x128xf32, #tpu.memory_space<vmem>>, vector<1x16xf32>,
        %swap3A_153 = vector.shape_cast %swap3A_152 : vector<1x16xf32> to vector<16xf32>
        %swap3A_154 = vector.shape_cast %mul3A_149 : vector<16xf32> to vector<1x16xf32>
        tpu.vector_store %arg12[%swap3A_150, %swap3A_151], %swap3A_154 {strides = array<i32>} : memref<160x128xf32, #tpu.memory_space<vmem>>, vector<1x16xf32>,
        %swap3A_155 = arith.index_cast %scan3A_101 : i32 to index
        %swap3A_156 = arith.constant 80 : index
        %swap3A_157 = tpu.vector_load %arg12[%swap3A_155, %swap3A_156] {strides = array<i32>} : memref<160x128xf32, #tpu.memory_space<vmem>>, vector<1x16xf32>,
        %swap3A_158 = vector.shape_cast %swap3A_157 : vector<1x16xf32> to vector<16xf32>
        %swap3A_159 = vector.shape_cast %exp3A_148 : vector<16xf32> to vector<1x16xf32>
        tpu.vector_store %arg12[%swap3A_155, %swap3A_156], %swap3A_159 {strides = array<i32>} : memref<160x128xf32, #tpu.memory_space<vmem>>, vector<1x16xf32>,
        %add3A_160 = arith.constant 32 : i32
        %add3A_161 = arith.addi %mul3A_19, %add3A_160 : i32
        %get3A_162 = arith.index_cast %scan3A_101 : i32 to index
        %get3A_163 = arith.index_cast %add3A_161 : i32 to index
        %get3A_164 = tpu.vector_load %arg12[%get3A_162, %get3A_163] {strides = array<i32>} : memref<160x128xf32, #tpu.memory_space<vmem>>, vector<1x16xf32>,
        %get3A_165 = vector.shape_cast %get3A_164 : vector<1x16xf32> to vector<16xf32>
        %get3A_166 = arith.index_cast %scan3A_101 : i32 to index
        %get3A_167 = arith.constant 32 : index
        %get3A_168 = tpu.vector_load %arg13[%get3A_166, %get3A_167] {strides = array<i32>} : memref<160x64xf32, #tpu.memory_space<vmem>>, vector<1x16xf32>,
        %get3A_169 = vector.shape_cast %get3A_168 : vector<1x16xf32> to vector<16xf32>
        %add3A_170 = arith.addf %get3A_165, %get3A_169 : vector<16xf32>
        %max3A_171 = arith.constant 0.000000e+00 : f32
        %max3A_172 = vector.broadcast %max3A_171 : f32 to vector<16xf32>
        %max3A_173 = arith.maximumf %add3A_170, %max3A_172 : vector<16xf32>
        %add3A_174 = arith.constant 1.000000e-07 : f32
        %add3A_175 = vector.broadcast %add3A_174 : f32 to vector<16xf32>
        %add3A_176 = arith.addf %max3A_173, %add3A_175 : vector<16xf32>
        %mul3A_177 = arith.mulf %add3A_176, %get3A_15 : vector<16xf32>
        %exp3A_178 = math.exp %mul3A_177 : vector<16xf32>
        %mul3A_179 = arith.mulf %exp3A_178, %add3A_176 : vector<16xf32>
        %swap3A_180 = arith.index_cast %scan3A_101 : i32 to index
        %swap3A_181 = arith.constant 32 : index
        %swap3A_182 = tpu.vector_load %arg12[%swap3A_180, %swap3A_181] {strides = array<i32>} : memref<160x128xf32, #tpu.memory_space<vmem>>, vector<1x16xf32>,
        %swap3A_183 = vector.shape_cast %swap3A_182 : vector<1x16xf32> to vector<16xf32>
        %swap3A_184 = vector.shape_cast %mul3A_179 : vector<16xf32> to vector<1x16xf32>
        tpu.vector_store %arg12[%swap3A_180, %swap3A_181], %swap3A_184 {strides = array<i32>} : memref<160x128xf32, #tpu.memory_space<vmem>>, vector<1x16xf32>,
        %swap3A_185 = arith.index_cast %scan3A_101 : i32 to index
        %swap3A_186 = arith.constant 96 : index
        %swap3A_187 = tpu.vector_load %arg12[%swap3A_185, %swap3A_186] {strides = array<i32>} : memref<160x128xf32, #tpu.memory_space<vmem>>, vector<1x16xf32>,
        %swap3A_188 = vector.shape_cast %swap3A_187 : vector<1x16xf32> to vector<16xf32>
        %swap3A_189 = vector.shape_cast %exp3A_178 : vector<16xf32> to vector<1x16xf32>
        tpu.vector_store %arg12[%swap3A_185, %swap3A_186], %swap3A_189 {strides = array<i32>} : memref<160x128xf32, #tpu.memory_space<vmem>>, vector<1x16xf32>,
        %add3A_190 = arith.constant 48 : i32
        %add3A_191 = arith.addi %mul3A_19, %add3A_190 : i32
        %get3A_192 = arith.index_cast %scan3A_101 : i32 to index
        %get3A_193 = arith.index_cast %add3A_191 : i32 to index
        %get3A_194 = tpu.vector_load %arg12[%get3A_192, %get3A_193] {strides = array<i32>} : memref<160x128xf32, #tpu.memory_space<vmem>>, vector<1x16xf32>,
        %get3A_195 = vector.shape_cast %get3A_194 : vector<1x16xf32> to vector<16xf32>
        %get3A_196 = arith.index_cast %scan3A_101 : i32 to index
        %get3A_197 = arith.constant 48 : index
        %get3A_198 = tpu.vector_load %arg13[%get3A_196, %get3A_197] {strides = array<i32>} : memref<160x64xf32, #tpu.memory_space<vmem>>, vector<1x16xf32>,
        %get3A_199 = vector.shape_cast %get3A_198 : vector<1x16xf32> to vector<16xf32>
        %add3A_200 = arith.addf %get3A_195, %get3A_199 : vector<16xf32>
        %max3A_201 = arith.constant 0.000000e+00 : f32
        %max3A_202 = vector.broadcast %max3A_201 : f32 to vector<16xf32>
        %max3A_203 = arith.maximumf %add3A_200, %max3A_202 : vector<16xf32>
        %add3A_204 = arith.constant 1.000000e-07 : f32
        %add3A_205 = vector.broadcast %add3A_204 : f32 to vector<16xf32>
        %add3A_206 = arith.addf %max3A_203, %add3A_205 : vector<16xf32>
        %mul3A_207 = arith.mulf %add3A_206, %get3A_15 : vector<16xf32>
        %exp3A_208 = math.exp %mul3A_207 : vector<16xf32>
        %mul3A_209 = arith.mulf %exp3A_208, %add3A_206 : vector<16xf32>
        %swap3A_210 = arith.index_cast %scan3A_101 : i32 to index
        %swap3A_211 = arith.constant 48 : index
        %swap3A_212 = tpu.vector_load %arg12[%swap3A_210, %swap3A_211] {strides = array<i32>} : memref<160x128xf32, #tpu.memory_space<vmem>>, vector<1x16xf32>,
        %swap3A_213 = vector.shape_cast %swap3A_212 : vector<1x16xf32> to vector<16xf32>
        %swap3A_214 = vector.shape_cast %mul3A_209 : vector<16xf32> to vector<1x16xf32>
        tpu.vector_store %arg12[%swap3A_210, %swap3A_211], %swap3A_214 {strides = array<i32>} : memref<160x128xf32, #tpu.memory_space<vmem>>, vector<1x16xf32>,
        %swap3A_215 = arith.index_cast %scan3A_101 : i32 to index
        %swap3A_216 = arith.constant 112 : index
        %swap3A_217 = tpu.vector_load %arg12[%swap3A_215, %swap3A_216] {strides = array<i32>} : memref<160x128xf32, #tpu.memory_space<vmem>>, vector<1x16xf32>,
        %swap3A_218 = vector.shape_cast %swap3A_217 : vector<1x16xf32> to vector<16xf32>
        %swap3A_219 = vector.shape_cast %exp3A_208 : vector<16xf32> to vector<1x16xf32>
        tpu.vector_store %arg12[%swap3A_215, %swap3A_216], %swap3A_219 {strides = array<i32>} : memref<160x128xf32, #tpu.memory_space<vmem>>, vector<1x16xf32>,
        %scan3A_220 = arith.constant 0 : i32
        scf.yield %scan3A_220 : i32
      }
      %scan3A_98 = arith.constant 160 : i32
      %run_scoped3A = arith.constant 0 : i32
      "tpu.region"() ({
        %run_scoped3A_101 = tpu.sem_alloc : memref<!tpu.dma_semaphore, #tpu.memory_space<semaphore_mem>>
        %dma_start3A_102 = arith.constant 0 : i32
        %dma_start3A_103 = arith.constant 0 : i32
        %dma_start3A_104 = tpu.memref_slice %arg12[%dma_start3A_102, %dma_start3A_103] : memref<160x128xf32, #tpu.memory_space<vmem>> -> memref<80x128xf32, #tpu.memory_space<vmem>>
        %dma_start3A_105 = arith.constant 0 : i32
        %dma_start3A_106 = tpu.memref_slice %arg11[%run_scoped3A, %dma_start3A_105] : memref<2x80xi32, #tpu.memory_space<vmem>> -> memref<1x80xi32, #tpu.memory_space<vmem>>
        %dma_start3A_107 = tpu.memref_squeeze %dma_start3A_106 : memref<1x80xi32, #tpu.memory_space<vmem>> -> memref<80xi32, #tpu.memory_space<vmem>>
        %dma_start3A_108 = arith.constant 0 : i32
        %dma_start3A_109 = arith.constant 0 : i32
        %dma_start3A_110 = tpu.memref_slice %arg9[%dma_start3A_108, %dma_start3A_109] : memref<10240x128xf32, #tpu.memory_space<vmem_shared>> -> memref<10240x128xf32, #tpu.memory_space<vmem_shared>>
        tpu.enqueue_indirect_dma source(%dma_start3A_104 : memref<80x128xf32, #tpu.memory_space<vmem>>) target(%dma_start3A_110 : memref<10240x128xf32, #tpu.memory_space<vmem_shared>>) offsets(%dma_start3A_107 : memref<80xi32, #tpu.memory_space<vmem>>) semaphore(%run_scoped3A_101 : memref<!tpu.dma_semaphore, #tpu.memory_space<semaphore_mem>>) {add = true}
        %dma_wait3A_111 = arith.constant 0 : i32
        %dma_wait3A_112 = arith.constant 0 : i32
        %dma_wait3A_113 = tpu.memref_slice %arg12[%dma_wait3A_111, %dma_wait3A_112] : memref<160x128xf32, #tpu.memory_space<vmem>> -> memref<80x128xf32, #tpu.memory_space<vmem>>
        %dma_wait3A_114 = arith.constant 0 : i32
        %dma_wait3A_115 = tpu.memref_slice %arg11[%run_scoped3A, %dma_wait3A_114] : memref<2x80xi32, #tpu.memory_space<vmem>> -> memref<1x80xi32, #tpu.memory_space<vmem>>
        %dma_wait3A_116 = tpu.memref_squeeze %dma_wait3A_115 : memref<1x80xi32, #tpu.memory_space<vmem>> -> memref<80xi32, #tpu.memory_space<vmem>>
        %dma_wait3A_117 = arith.constant 0 : i32
        %dma_wait3A_118 = arith.constant 0 : i32
        %dma_wait3A_119 = tpu.memref_slice %arg9[%dma_wait3A_117, %dma_wait3A_118] : memref<10240x128xf32, #tpu.memory_space<vmem_shared>> -> memref<10240x128xf32, #tpu.memory_space<vmem_shared>>
        tpu.wait_indirect_dma semaphore(%run_scoped3A_101 : memref<!tpu.dma_semaphore, #tpu.memory_space<semaphore_mem>>) src(%dma_wait3A_113 : memref<80x128xf32, #tpu.memory_space<vmem>>) dst(%dma_wait3A_119 : memref<10240x128xf32, #tpu.memory_space<vmem_shared>>)
        tpu.yield
      }) : () -> ()
      %run_scoped3A_99 = arith.constant 1 : i32
      "tpu.region"() ({
        %run_scoped3A_101 = tpu.sem_alloc : memref<!tpu.dma_semaphore, #tpu.memory_space<semaphore_mem>>
        %dma_start3A_102 = arith.constant 80 : i32
        %dma_start3A_103 = arith.constant 0 : i32
        %dma_start3A_104 = tpu.memref_slice %arg12[%dma_start3A_102, %dma_start3A_103] : memref<160x128xf32, #tpu.memory_space<vmem>> -> memref<80x128xf32, #tpu.memory_space<vmem>>
        %dma_start3A_105 = arith.constant 0 : i32
        %dma_start3A_106 = tpu.memref_slice %arg11[%run_scoped3A_99, %dma_start3A_105] : memref<2x80xi32, #tpu.memory_space<vmem>> -> memref<1x80xi32, #tpu.memory_space<vmem>>
        %dma_start3A_107 = tpu.memref_squeeze %dma_start3A_106 : memref<1x80xi32, #tpu.memory_space<vmem>> -> memref<80xi32, #tpu.memory_space<vmem>>
        %dma_start3A_108 = arith.constant 0 : i32
        %dma_start3A_109 = arith.constant 0 : i32
        %dma_start3A_110 = tpu.memref_slice %arg9[%dma_start3A_108, %dma_start3A_109] : memref<10240x128xf32, #tpu.memory_space<vmem_shared>> -> memref<10240x128xf32, #tpu.memory_space<vmem_shared>>
        tpu.enqueue_indirect_dma source(%dma_start3A_104 : memref<80x128xf32, #tpu.memory_space<vmem>>) target(%dma_start3A_110 : memref<10240x128xf32, #tpu.memory_space<vmem_shared>>) offsets(%dma_start3A_107 : memref<80xi32, #tpu.memory_space<vmem>>) semaphore(%run_scoped3A_101 : memref<!tpu.dma_semaphore, #tpu.memory_space<semaphore_mem>>) {add = true}
        %dma_wait3A_111 = arith.constant 80 : i32
        %dma_wait3A_112 = arith.constant 0 : i32
        %dma_wait3A_113 = tpu.memref_slice %arg12[%dma_wait3A_111, %dma_wait3A_112] : memref<160x128xf32, #tpu.memory_space<vmem>> -> memref<80x128xf32, #tpu.memory_space<vmem>>
        %dma_wait3A_114 = arith.constant 0 : i32
        %dma_wait3A_115 = tpu.memref_slice %arg11[%run_scoped3A_99, %dma_wait3A_114] : memref<2x80xi32, #tpu.memory_space<vmem>> -> memref<1x80xi32, #tpu.memory_space<vmem>>
        %dma_wait3A_116 = tpu.memref_squeeze %dma_wait3A_115 : memref<1x80xi32, #tpu.memory_space<vmem>> -> memref<80xi32, #tpu.memory_space<vmem>>
        %dma_wait3A_117 = arith.constant 0 : i32
        %dma_wait3A_118 = arith.constant 0 : i32
        %dma_wait3A_119 = tpu.memref_slice %arg9[%dma_wait3A_117, %dma_wait3A_118] : memref<10240x128xf32, #tpu.memory_space<vmem_shared>> -> memref<10240x128xf32, #tpu.memory_space<vmem_shared>>
        tpu.wait_indirect_dma semaphore(%run_scoped3A_101 : memref<!tpu.dma_semaphore, #tpu.memory_space<semaphore_mem>>) src(%dma_wait3A_113 : memref<80x128xf32, #tpu.memory_space<vmem>>) dst(%dma_wait3A_119 : memref<10240x128xf32, #tpu.memory_space<vmem_shared>>)
        tpu.yield
      }) : () -> ()
      %scan3A_100 = arith.constant 0 : i32
      scf.yield %scan3A_100 : i32
    }
    %scan3A_26 = arith.constant 125 : i32
    %barrier3A_27 = arith.constant 0 : index
    tpu.barrier barrier_id(%barrier3A_27)
    %add3A_28 = arith.constant 0 : i32
    %add3A_29 = arith.addi %mul3A_6, %add3A_28 : i32
    "tpu.region"() ({
      %run_scoped3A = tpu.sem_alloc : memref<!tpu.dma_semaphore, #tpu.memory_space<semaphore_mem>>
      %dma_start3A = arith.constant 0 : i32
      %dma_start3A_44 = arith.constant 0 : i32
      %dma_start3A_45 = tpu.memref_slice %arg12[%dma_start3A, %dma_start3A_44] : memref<160x128xf32, #tpu.memory_space<vmem>> -> memref<160x128xf32, #tpu.memory_space<vmem>>
      %dma_start3A_46 = arith.constant 0 : i32
      %dma_start3A_47 = tpu.memref_slice %arg9[%add3A_29, %dma_start3A_46] : memref<10240x128xf32, #tpu.memory_space<vmem_shared>> -> memref<160x128xf32, #tpu.memory_space<vmem_shared>>
      %dma_start3A_48 = arith.constant 0 : i32
      %dma_start3A_49 = arith.constant 0 : i32
      %dma_start3A_50 = tpu.memref_slice %arg12[%dma_start3A_48, %dma_start3A_49] : memref<160x128xf32, #tpu.memory_space<vmem>> -> memref<160x128xf32, #tpu.memory_space<vmem>>
      %dma_start3A_51 = arith.constant 0 : i32
      %dma_start3A_52 = tpu.memref_slice %arg9[%add3A_29, %dma_start3A_51] : memref<10240x128xf32, #tpu.memory_space<vmem_shared>> -> memref<160x128xf32, #tpu.memory_space<vmem_shared>>
      tpu.enqueue_dma source(%dma_start3A_52 : memref<160x128xf32, #tpu.memory_space<vmem_shared>>) target(%dma_start3A_50 : memref<160x128xf32, #tpu.memory_space<vmem>>) target_semaphore(%run_scoped3A : memref<!tpu.dma_semaphore, #tpu.memory_space<semaphore_mem>>)
      %dma_wait3A = arith.constant 0 : i32
      %dma_wait3A_53 = arith.constant 0 : i32
      %dma_wait3A_54 = tpu.memref_slice %arg12[%dma_wait3A, %dma_wait3A_53] : memref<160x128xf32, #tpu.memory_space<vmem>> -> memref<160x128xf32, #tpu.memory_space<vmem>>
      %dma_wait3A_55 = arith.constant 0 : i32
      %dma_wait3A_56 = tpu.memref_slice %arg9[%add3A_29, %dma_wait3A_55] : memref<10240x128xf32, #tpu.memory_space<vmem_shared>> -> memref<160x128xf32, #tpu.memory_space<vmem_shared>>
      %dma_wait3A_57 = arith.constant 0 : i32
      %dma_wait3A_58 = arith.constant 0 : i32
      %dma_wait3A_59 = tpu.memref_slice %arg12[%dma_wait3A_57, %dma_wait3A_58] : memref<160x128xf32, #tpu.memory_space<vmem>> -> memref<160x128xf32, #tpu.memory_space<vmem>>
      %dma_wait3A_60 = arith.constant 0 : i32
      %dma_wait3A_61 = tpu.memref_slice %arg9[%add3A_29, %dma_wait3A_60] : memref<10240x128xf32, #tpu.memory_space<vmem_shared>> -> memref<160x128xf32, #tpu.memory_space<vmem_shared>>
      tpu.wait_dma2 semaphore(%run_scoped3A : memref<!tpu.dma_semaphore, #tpu.memory_space<semaphore_mem>>) src(%dma_wait3A_61 : memref<160x128xf32, #tpu.memory_space<vmem_shared>>) dst(%dma_wait3A_59 : memref<160x128xf32, #tpu.memory_space<vmem>>)
      tpu.yield
    }) : () -> ()
    %add3A_30 = arith.constant 0 : i32
    %add3A_31 = arith.addi %mul3A_6, %add3A_30 : i32
    "tpu.region"() ({
      %run_scoped3A = tpu.sem_alloc : memref<!tpu.dma_semaphore, #tpu.memory_space<semaphore_mem>>
      %dma_start3A = arith.constant 0 : i32
      %dma_start3A_44 = arith.constant 0 : i32
      %dma_start3A_45 = tpu.memref_slice %arg12[%dma_start3A, %dma_start3A_44] : memref<160x128xf32, #tpu.memory_space<vmem>> -> memref<160x128xf32, #tpu.memory_space<vmem>>
      %dma_start3A_46 = arith.constant 0 : i32
      %dma_start3A_47 = tpu.memref_slice %arg8[%arg0, %add3A_31, %dma_start3A_46] : memref<2x10240x128xf32, #tpu.memory_space<hbm>> -> memref<1x160x128xf32, #tpu.memory_space<hbm>>
      %dma_start3A_48 = tpu.memref_squeeze %dma_start3A_47 : memref<1x160x128xf32, #tpu.memory_space<hbm>> -> memref<160x128xf32, #tpu.memory_space<hbm>>
      %dma_start3A_49 = arith.constant 0 : i32
      %dma_start3A_50 = tpu.memref_slice %arg8[%arg0, %add3A_31, %dma_start3A_49] : memref<2x10240x128xf32, #tpu.memory_space<hbm>> -> memref<1x160x128xf32, #tpu.memory_space<hbm>>
      %dma_start3A_51 = tpu.memref_squeeze %dma_start3A_50 : memref<1x160x128xf32, #tpu.memory_space<hbm>> -> memref<160x128xf32, #tpu.memory_space<hbm>>
      %dma_start3A_52 = arith.constant 0 : i32
      %dma_start3A_53 = arith.constant 0 : i32
      %dma_start3A_54 = tpu.memref_slice %arg12[%dma_start3A_52, %dma_start3A_53] : memref<160x128xf32, #tpu.memory_space<vmem>> -> memref<160x128xf32, #tpu.memory_space<vmem>>
      tpu.enqueue_dma source(%dma_start3A_54 : memref<160x128xf32, #tpu.memory_space<vmem>>) target(%dma_start3A_51 : memref<160x128xf32, #tpu.memory_space<hbm>>) target_semaphore(%run_scoped3A : memref<!tpu.dma_semaphore, #tpu.memory_space<semaphore_mem>>)
      %dma_wait3A = arith.constant 0 : i32
      %dma_wait3A_55 = arith.constant 0 : i32
      %dma_wait3A_56 = tpu.memref_slice %arg12[%dma_wait3A, %dma_wait3A_55] : memref<160x128xf32, #tpu.memory_space<vmem>> -> memref<160x128xf32, #tpu.memory_space<vmem>>
      %dma_wait3A_57 = arith.constant 0 : i32
      %dma_wait3A_58 = tpu.memref_slice %arg8[%arg0, %add3A_31, %dma_wait3A_57] : memref<2x10240x128xf32, #tpu.memory_space<hbm>> -> memref<1x160x128xf32, #tpu.memory_space<hbm>>
      %dma_wait3A_59 = tpu.memref_squeeze %dma_wait3A_58 : memref<1x160x128xf32, #tpu.memory_space<hbm>> -> memref<160x128xf32, #tpu.memory_space<hbm>>
      %dma_wait3A_60 = arith.constant 0 : i32
      %dma_wait3A_61 = tpu.memref_slice %arg8[%arg0, %add3A_31, %dma_wait3A_60] : memref<2x10240x128xf32, #tpu.memory_space<hbm>> -> memref<1x160x128xf32, #tpu.memory_space<hbm>>
      %dma_wait3A_62 = tpu.memref_squeeze %dma_wait3A_61 : memref<1x160x128xf32, #tpu.memory_space<hbm>> -> memref<160x128xf32, #tpu.memory_space<hbm>>
      %dma_wait3A_63 = arith.constant 0 : i32
      %dma_wait3A_64 = arith.constant 0 : i32
      %dma_wait3A_65 = tpu.memref_slice %arg12[%dma_wait3A_63, %dma_wait3A_64] : memref<160x128xf32, #tpu.memory_space<vmem>> -> memref<160x128xf32, #tpu.memory_space<vmem>>
      tpu.wait_dma2 semaphore(%run_scoped3A : memref<!tpu.dma_semaphore, #tpu.memory_space<semaphore_mem>>) src(%dma_wait3A_65 : memref<160x128xf32, #tpu.memory_space<vmem>>) dst(%dma_wait3A_62 : memref<160x128xf32, #tpu.memory_space<hbm>>)
      tpu.yield
    }) : () -> ()
    %add3A_32 = arith.constant 160 : i32
    %add3A_33 = arith.addi %mul3A_6, %add3A_32 : i32
    "tpu.region"() ({
      %run_scoped3A = tpu.sem_alloc : memref<!tpu.dma_semaphore, #tpu.memory_space<semaphore_mem>>
      %dma_start3A = arith.constant 0 : i32
      %dma_start3A_44 = arith.constant 0 : i32
      %dma_start3A_45 = tpu.memref_slice %arg12[%dma_start3A, %dma_start3A_44] : memref<160x128xf32, #tpu.memory_space<vmem>> -> memref<160x128xf32, #tpu.memory_space<vmem>>
      %dma_start3A_46 = arith.constant 0 : i32
      %dma_start3A_47 = tpu.memref_slice %arg9[%add3A_33, %dma_start3A_46] : memref<10240x128xf32, #tpu.memory_space<vmem_shared>> -> memref<160x128xf32, #tpu.memory_space<vmem_shared>>
      %dma_start3A_48 = arith.constant 0 : i32
      %dma_start3A_49 = arith.constant 0 : i32
      %dma_start3A_50 = tpu.memref_slice %arg12[%dma_start3A_48, %dma_start3A_49] : memref<160x128xf32, #tpu.memory_space<vmem>> -> memref<160x128xf32, #tpu.memory_space<vmem>>
      %dma_start3A_51 = arith.constant 0 : i32
      %dma_start3A_52 = tpu.memref_slice %arg9[%add3A_33, %dma_start3A_51] : memref<10240x128xf32, #tpu.memory_space<vmem_shared>> -> memref<160x128xf32, #tpu.memory_space<vmem_shared>>
      tpu.enqueue_dma source(%dma_start3A_52 : memref<160x128xf32, #tpu.memory_space<vmem_shared>>) target(%dma_start3A_50 : memref<160x128xf32, #tpu.memory_space<vmem>>) target_semaphore(%run_scoped3A : memref<!tpu.dma_semaphore, #tpu.memory_space<semaphore_mem>>)
      %dma_wait3A = arith.constant 0 : i32
      %dma_wait3A_53 = arith.constant 0 : i32
      %dma_wait3A_54 = tpu.memref_slice %arg12[%dma_wait3A, %dma_wait3A_53] : memref<160x128xf32, #tpu.memory_space<vmem>> -> memref<160x128xf32, #tpu.memory_space<vmem>>
      %dma_wait3A_55 = arith.constant 0 : i32
      %dma_wait3A_56 = tpu.memref_slice %arg9[%add3A_33, %dma_wait3A_55] : memref<10240x128xf32, #tpu.memory_space<vmem_shared>> -> memref<160x128xf32, #tpu.memory_space<vmem_shared>>
      %dma_wait3A_57 = arith.constant 0 : i32
      %dma_wait3A_58 = arith.constant 0 : i32
      %dma_wait3A_59 = tpu.memref_slice %arg12[%dma_wait3A_57, %dma_wait3A_58] : memref<160x128xf32, #tpu.memory_space<vmem>> -> memref<160x128xf32, #tpu.memory_space<vmem>>
      %dma_wait3A_60 = arith.constant 0 : i32
      %dma_wait3A_61 = tpu.memref_slice %arg9[%add3A_33, %dma_wait3A_60] : memref<10240x128xf32, #tpu.memory_space<vmem_shared>> -> memref<160x128xf32, #tpu.memory_space<vmem_shared>>
      tpu.wait_dma2 semaphore(%run_scoped3A : memref<!tpu.dma_semaphore, #tpu.memory_space<semaphore_mem>>) src(%dma_wait3A_61 : memref<160x128xf32, #tpu.memory_space<vmem_shared>>) dst(%dma_wait3A_59 : memref<160x128xf32, #tpu.memory_space<vmem>>)
      tpu.yield
    }) : () -> ()
    %add3A_34 = arith.constant 160 : i32
    %add3A_35 = arith.addi %mul3A_6, %add3A_34 : i32
    "tpu.region"() ({
      %run_scoped3A = tpu.sem_alloc : memref<!tpu.dma_semaphore, #tpu.memory_space<semaphore_mem>>
      %dma_start3A = arith.constant 0 : i32
      %dma_start3A_44 = arith.constant 0 : i32
      %dma_start3A_45 = tpu.memref_slice %arg12[%dma_start3A, %dma_start3A_44] : memref<160x128xf32, #tpu.memory_space<vmem>> -> memref<160x128xf32, #tpu.memory_space<vmem>>
      %dma_start3A_46 = arith.constant 0 : i32
      %dma_start3A_47 = tpu.memref_slice %arg8[%arg0, %add3A_35, %dma_start3A_46] : memref<2x10240x128xf32, #tpu.memory_space<hbm>> -> memref<1x160x128xf32, #tpu.memory_space<hbm>>
      %dma_start3A_48 = tpu.memref_squeeze %dma_start3A_47 : memref<1x160x128xf32, #tpu.memory_space<hbm>> -> memref<160x128xf32, #tpu.memory_space<hbm>>
      %dma_start3A_49 = arith.constant 0 : i32
      %dma_start3A_50 = tpu.memref_slice %arg8[%arg0, %add3A_35, %dma_start3A_49] : memref<2x10240x128xf32, #tpu.memory_space<hbm>> -> memref<1x160x128xf32, #tpu.memory_space<hbm>>
      %dma_start3A_51 = tpu.memref_squeeze %dma_start3A_50 : memref<1x160x128xf32, #tpu.memory_space<hbm>> -> memref<160x128xf32, #tpu.memory_space<hbm>>
      %dma_start3A_52 = arith.constant 0 : i32
      %dma_start3A_53 = arith.constant 0 : i32
      %dma_start3A_54 = tpu.memref_slice %arg12[%dma_start3A_52, %dma_start3A_53] : memref<160x128xf32, #tpu.memory_space<vmem>> -> memref<160x128xf32, #tpu.memory_space<vmem>>
      tpu.enqueue_dma source(%dma_start3A_54 : memref<160x128xf32, #tpu.memory_space<vmem>>) target(%dma_start3A_51 : memref<160x128xf32, #tpu.memory_space<hbm>>) target_semaphore(%run_scoped3A : memref<!tpu.dma_semaphore, #tpu.memory_space<semaphore_mem>>)
      %dma_wait3A = arith.constant 0 : i32
      %dma_wait3A_55 = arith.constant 0 : i32
      %dma_wait3A_56 = tpu.memref_slice %arg12[%dma_wait3A, %dma_wait3A_55] : memref<160x128xf32, #tpu.memory_space<vmem>> -> memref<160x128xf32, #tpu.memory_space<vmem>>
      %dma_wait3A_57 = arith.constant 0 : i32
      %dma_wait3A_58 = tpu.memref_slice %arg8[%arg0, %add3A_35, %dma_wait3A_57] : memref<2x10240x128xf32, #tpu.memory_space<hbm>> -> memref<1x160x128xf32, #tpu.memory_space<hbm>>
      %dma_wait3A_59 = tpu.memref_squeeze %dma_wait3A_58 : memref<1x160x128xf32, #tpu.memory_space<hbm>> -> memref<160x128xf32, #tpu.memory_space<hbm>>
      %dma_wait3A_60 = arith.constant 0 : i32
      %dma_wait3A_61 = tpu.memref_slice %arg8[%arg0, %add3A_35, %dma_wait3A_60] : memref<2x10240x128xf32, #tpu.memory_space<hbm>> -> memref<1x160x128xf32, #tpu.memory_space<hbm>>
      %dma_wait3A_62 = tpu.memref_squeeze %dma_wait3A_61 : memref<1x160x128xf32, #tpu.memory_space<hbm>> -> memref<160x128xf32, #tpu.memory_space<hbm>>
      %dma_wait3A_63 = arith.constant 0 : i32
      %dma_wait3A_64 = arith.constant 0 : i32
      %dma_wait3A_65 = tpu.memref_slice %arg12[%dma_wait3A_63, %dma_wait3A_64] : memref<160x128xf32, #tpu.memory_space<vmem>> -> memref<160x128xf32, #tpu.memory_space<vmem>>
      tpu.wait_dma2 semaphore(%run_scoped3A : memref<!tpu.dma_semaphore, #tpu.memory_space<semaphore_mem>>) src(%dma_wait3A_65 : memref<160x128xf32, #tpu.memory_space<vmem>>) dst(%dma_wait3A_62 : memref<160x128xf32, #tpu.memory_space<hbm>>)
      tpu.yield
    }) : () -> ()
    %add3A_36 = arith.constant 320 : i32
    %add3A_37 = arith.addi %mul3A_6, %add3A_36 : i32
    "tpu.region"() ({
      %run_scoped3A = tpu.sem_alloc : memref<!tpu.dma_semaphore, #tpu.memory_space<semaphore_mem>>
      %dma_start3A = arith.constant 0 : i32
      %dma_start3A_44 = arith.constant 0 : i32
      %dma_start3A_45 = tpu.memref_slice %arg12[%dma_start3A, %dma_start3A_44] : memref<160x128xf32, #tpu.memory_space<vmem>> -> memref<160x128xf32, #tpu.memory_space<vmem>>
      %dma_start3A_46 = arith.constant 0 : i32
      %dma_start3A_47 = tpu.memref_slice %arg9[%add3A_37, %dma_start3A_46] : memref<10240x128xf32, #tpu.memory_space<vmem_shared>> -> memref<160x128xf32, #tpu.memory_space<vmem_shared>>
      %dma_start3A_48 = arith.constant 0 : i32
      %dma_start3A_49 = arith.constant 0 : i32
      %dma_start3A_50 = tpu.memref_slice %arg12[%dma_start3A_48, %dma_start3A_49] : memref<160x128xf32, #tpu.memory_space<vmem>> -> memref<160x128xf32, #tpu.memory_space<vmem>>
      %dma_start3A_51 = arith.constant 0 : i32
      %dma_start3A_52 = tpu.memref_slice %arg9[%add3A_37, %dma_start3A_51] : memref<10240x128xf32, #tpu.memory_space<vmem_shared>> -> memref<160x128xf32, #tpu.memory_space<vmem_shared>>
      tpu.enqueue_dma source(%dma_start3A_52 : memref<160x128xf32, #tpu.memory_space<vmem_shared>>) target(%dma_start3A_50 : memref<160x128xf32, #tpu.memory_space<vmem>>) target_semaphore(%run_scoped3A : memref<!tpu.dma_semaphore, #tpu.memory_space<semaphore_mem>>)
      %dma_wait3A = arith.constant 0 : i32
      %dma_wait3A_53 = arith.constant 0 : i32
      %dma_wait3A_54 = tpu.memref_slice %arg12[%dma_wait3A, %dma_wait3A_53] : memref<160x128xf32, #tpu.memory_space<vmem>> -> memref<160x128xf32, #tpu.memory_space<vmem>>
      %dma_wait3A_55 = arith.constant 0 : i32
      %dma_wait3A_56 = tpu.memref_slice %arg9[%add3A_37, %dma_wait3A_55] : memref<10240x128xf32, #tpu.memory_space<vmem_shared>> -> memref<160x128xf32, #tpu.memory_space<vmem_shared>>
      %dma_wait3A_57 = arith.constant 0 : i32
      %dma_wait3A_58 = arith.constant 0 : i32
      %dma_wait3A_59 = tpu.memref_slice %arg12[%dma_wait3A_57, %dma_wait3A_58] : memref<160x128xf32, #tpu.memory_space<vmem>> -> memref<160x128xf32, #tpu.memory_space<vmem>>
      %dma_wait3A_60 = arith.constant 0 : i32
      %dma_wait3A_61 = tpu.memref_slice %arg9[%add3A_37, %dma_wait3A_60] : memref<10240x128xf32, #tpu.memory_space<vmem_shared>> -> memref<160x128xf32, #tpu.memory_space<vmem_shared>>
      tpu.wait_dma2 semaphore(%run_scoped3A : memref<!tpu.dma_semaphore, #tpu.memory_space<semaphore_mem>>) src(%dma_wait3A_61 : memref<160x128xf32, #tpu.memory_space<vmem_shared>>) dst(%dma_wait3A_59 : memref<160x128xf32, #tpu.memory_space<vmem>>)
      tpu.yield
    }) : () -> ()
    %add3A_38 = arith.constant 320 : i32
    %add3A_39 = arith.addi %mul3A_6, %add3A_38 : i32
    "tpu.region"() ({
      %run_scoped3A = tpu.sem_alloc : memref<!tpu.dma_semaphore, #tpu.memory_space<semaphore_mem>>
      %dma_start3A = arith.constant 0 : i32
      %dma_start3A_44 = arith.constant 0 : i32
      %dma_start3A_45 = tpu.memref_slice %arg12[%dma_start3A, %dma_start3A_44] : memref<160x128xf32, #tpu.memory_space<vmem>> -> memref<160x128xf32, #tpu.memory_space<vmem>>
      %dma_start3A_46 = arith.constant 0 : i32
      %dma_start3A_47 = tpu.memref_slice %arg8[%arg0, %add3A_39, %dma_start3A_46] : memref<2x10240x128xf32, #tpu.memory_space<hbm>> -> memref<1x160x128xf32, #tpu.memory_space<hbm>>
      %dma_start3A_48 = tpu.memref_squeeze %dma_start3A_47 : memref<1x160x128xf32, #tpu.memory_space<hbm>> -> memref<160x128xf32, #tpu.memory_space<hbm>>
      %dma_start3A_49 = arith.constant 0 : i32
      %dma_start3A_50 = tpu.memref_slice %arg8[%arg0, %add3A_39, %dma_start3A_49] : memref<2x10240x128xf32, #tpu.memory_space<hbm>> -> memref<1x160x128xf32, #tpu.memory_space<hbm>>
      %dma_start3A_51 = tpu.memref_squeeze %dma_start3A_50 : memref<1x160x128xf32, #tpu.memory_space<hbm>> -> memref<160x128xf32, #tpu.memory_space<hbm>>
      %dma_start3A_52 = arith.constant 0 : i32
      %dma_start3A_53 = arith.constant 0 : i32
      %dma_start3A_54 = tpu.memref_slice %arg12[%dma_start3A_52, %dma_start3A_53] : memref<160x128xf32, #tpu.memory_space<vmem>> -> memref<160x128xf32, #tpu.memory_space<vmem>>
      tpu.enqueue_dma source(%dma_start3A_54 : memref<160x128xf32, #tpu.memory_space<vmem>>) target(%dma_start3A_51 : memref<160x128xf32, #tpu.memory_space<hbm>>) target_semaphore(%run_scoped3A : memref<!tpu.dma_semaphore, #tpu.memory_space<semaphore_mem>>)
      %dma_wait3A = arith.constant 0 : i32
      %dma_wait3A_55 = arith.constant 0 : i32
      %dma_wait3A_56 = tpu.memref_slice %arg12[%dma_wait3A, %dma_wait3A_55] : memref<160x128xf32, #tpu.memory_space<vmem>> -> memref<160x128xf32, #tpu.memory_space<vmem>>
      %dma_wait3A_57 = arith.constant 0 : i32
      %dma_wait3A_58 = tpu.memref_slice %arg8[%arg0, %add3A_39, %dma_wait3A_57] : memref<2x10240x128xf32, #tpu.memory_space<hbm>> -> memref<1x160x128xf32, #tpu.memory_space<hbm>>
      %dma_wait3A_59 = tpu.memref_squeeze %dma_wait3A_58 : memref<1x160x128xf32, #tpu.memory_space<hbm>> -> memref<160x128xf32, #tpu.memory_space<hbm>>
      %dma_wait3A_60 = arith.constant 0 : i32
      %dma_wait3A_61 = tpu.memref_slice %arg8[%arg0, %add3A_39, %dma_wait3A_60] : memref<2x10240x128xf32, #tpu.memory_space<hbm>> -> memref<1x160x128xf32, #tpu.memory_space<hbm>>
      %dma_wait3A_62 = tpu.memref_squeeze %dma_wait3A_61 : memref<1x160x128xf32, #tpu.memory_space<hbm>> -> memref<160x128xf32, #tpu.memory_space<hbm>>
      %dma_wait3A_63 = arith.constant 0 : i32
      %dma_wait3A_64 = arith.constant 0 : i32
      %dma_wait3A_65 = tpu.memref_slice %arg12[%dma_wait3A_63, %dma_wait3A_64] : memref<160x128xf32, #tpu.memory_space<vmem>> -> memref<160x128xf32, #tpu.memory_space<vmem>>
      tpu.wait_dma2 semaphore(%run_scoped3A : memref<!tpu.dma_semaphore, #tpu.memory_space<semaphore_mem>>) src(%dma_wait3A_65 : memref<160x128xf32, #tpu.memory_space<vmem>>) dst(%dma_wait3A_62 : memref<160x128xf32, #tpu.memory_space<hbm>>)
      tpu.yield
    }) : () -> ()
    %add3A_40 = arith.constant 480 : i32
    %add3A_41 = arith.addi %mul3A_6, %add3A_40 : i32
    "tpu.region"() ({
      %run_scoped3A = tpu.sem_alloc : memref<!tpu.dma_semaphore, #tpu.memory_space<semaphore_mem>>
      %dma_start3A = arith.constant 0 : i32
      %dma_start3A_44 = arith.constant 0 : i32
      %dma_start3A_45 = tpu.memref_slice %arg12[%dma_start3A, %dma_start3A_44] : memref<160x128xf32, #tpu.memory_space<vmem>> -> memref<160x128xf32, #tpu.memory_space<vmem>>
      %dma_start3A_46 = arith.constant 0 : i32
      %dma_start3A_47 = tpu.memref_slice %arg9[%add3A_41, %dma_start3A_46] : memref<10240x128xf32, #tpu.memory_space<vmem_shared>> -> memref<160x128xf32, #tpu.memory_space<vmem_shared>>
      %dma_start3A_48 = arith.constant 0 : i32
      %dma_start3A_49 = arith.constant 0 : i32
      %dma_start3A_50 = tpu.memref_slice %arg12[%dma_start3A_48, %dma_start3A_49] : memref<160x128xf32, #tpu.memory_space<vmem>> -> memref<160x128xf32, #tpu.memory_space<vmem>>
      %dma_start3A_51 = arith.constant 0 : i32
      %dma_start3A_52 = tpu.memref_slice %arg9[%add3A_41, %dma_start3A_51] : memref<10240x128xf32, #tpu.memory_space<vmem_shared>> -> memref<160x128xf32, #tpu.memory_space<vmem_shared>>
      tpu.enqueue_dma source(%dma_start3A_52 : memref<160x128xf32, #tpu.memory_space<vmem_shared>>) target(%dma_start3A_50 : memref<160x128xf32, #tpu.memory_space<vmem>>) target_semaphore(%run_scoped3A : memref<!tpu.dma_semaphore, #tpu.memory_space<semaphore_mem>>)
      %dma_wait3A = arith.constant 0 : i32
      %dma_wait3A_53 = arith.constant 0 : i32
      %dma_wait3A_54 = tpu.memref_slice %arg12[%dma_wait3A, %dma_wait3A_53] : memref<160x128xf32, #tpu.memory_space<vmem>> -> memref<160x128xf32, #tpu.memory_space<vmem>>
      %dma_wait3A_55 = arith.constant 0 : i32
      %dma_wait3A_56 = tpu.memref_slice %arg9[%add3A_41, %dma_wait3A_55] : memref<10240x128xf32, #tpu.memory_space<vmem_shared>> -> memref<160x128xf32, #tpu.memory_space<vmem_shared>>
      %dma_wait3A_57 = arith.constant 0 : i32
      %dma_wait3A_58 = arith.constant 0 : i32
      %dma_wait3A_59 = tpu.memref_slice %arg12[%dma_wait3A_57, %dma_wait3A_58] : memref<160x128xf32, #tpu.memory_space<vmem>> -> memref<160x128xf32, #tpu.memory_space<vmem>>
      %dma_wait3A_60 = arith.constant 0 : i32
      %dma_wait3A_61 = tpu.memref_slice %arg9[%add3A_41, %dma_wait3A_60] : memref<10240x128xf32, #tpu.memory_space<vmem_shared>> -> memref<160x128xf32, #tpu.memory_space<vmem_shared>>
      tpu.wait_dma2 semaphore(%run_scoped3A : memref<!tpu.dma_semaphore, #tpu.memory_space<semaphore_mem>>) src(%dma_wait3A_61 : memref<160x128xf32, #tpu.memory_space<vmem_shared>>) dst(%dma_wait3A_59 : memref<160x128xf32, #tpu.memory_space<vmem>>)
      tpu.yield
    }) : () -> ()
    %add3A_42 = arith.constant 480 : i32
    %add3A_43 = arith.addi %mul3A_6, %add3A_42 : i32
    "tpu.region"() ({
      %run_scoped3A = tpu.sem_alloc : memref<!tpu.dma_semaphore, #tpu.memory_space<semaphore_mem>>
      %dma_start3A = arith.constant 0 : i32
      %dma_start3A_44 = arith.constant 0 : i32
      %dma_start3A_45 = tpu.memref_slice %arg12[%dma_start3A, %dma_start3A_44] : memref<160x128xf32, #tpu.memory_space<vmem>> -> memref<160x128xf32, #tpu.memory_space<vmem>>
      %dma_start3A_46 = arith.constant 0 : i32
      %dma_start3A_47 = tpu.memref_slice %arg8[%arg0, %add3A_43, %dma_start3A_46] : memref<2x10240x128xf32, #tpu.memory_space<hbm>> -> memref<1x160x128xf32, #tpu.memory_space<hbm>>
      %dma_start3A_48 = tpu.memref_squeeze %dma_start3A_47 : memref<1x160x128xf32, #tpu.memory_space<hbm>> -> memref<160x128xf32, #tpu.memory_space<hbm>>
      %dma_start3A_49 = arith.constant 0 : i32
      %dma_start3A_50 = tpu.memref_slice %arg8[%arg0, %add3A_43, %dma_start3A_49] : memref<2x10240x128xf32, #tpu.memory_space<hbm>> -> memref<1x160x128xf32, #tpu.memory_space<hbm>>
      %dma_start3A_51 = tpu.memref_squeeze %dma_start3A_50 : memref<1x160x128xf32, #tpu.memory_space<hbm>> -> memref<160x128xf32, #tpu.memory_space<hbm>>
      %dma_start3A_52 = arith.constant 0 : i32
      %dma_start3A_53 = arith.constant 0 : i32
      %dma_start3A_54 = tpu.memref_slice %arg12[%dma_start3A_52, %dma_start3A_53] : memref<160x128xf32, #tpu.memory_space<vmem>> -> memref<160x128xf32, #tpu.memory_space<vmem>>
      tpu.enqueue_dma source(%dma_start3A_54 : memref<160x128xf32, #tpu.memory_space<vmem>>) target(%dma_start3A_51 : memref<160x128xf32, #tpu.memory_space<hbm>>) target_semaphore(%run_scoped3A : memref<!tpu.dma_semaphore, #tpu.memory_space<semaphore_mem>>)
      %dma_wait3A = arith.constant 0 : i32
      %dma_wait3A_55 = arith.constant 0 : i32
      %dma_wait3A_56 = tpu.memref_slice %arg12[%dma_wait3A, %dma_wait3A_55] : memref<160x128xf32, #tpu.memory_space<vmem>> -> memref<160x128xf32, #tpu.memory_space<vmem>>
      %dma_wait3A_57 = arith.constant 0 : i32
      %dma_wait3A_58 = tpu.memref_slice %arg8[%arg0, %add3A_43, %dma_wait3A_57] : memref<2x10240x128xf32, #tpu.memory_space<hbm>> -> memref<1x160x128xf32, #tpu.memory_space<hbm>>
      %dma_wait3A_59 = tpu.memref_squeeze %dma_wait3A_58 : memref<1x160x128xf32, #tpu.memory_space<hbm>> -> memref<160x128xf32, #tpu.memory_space<hbm>>
      %dma_wait3A_60 = arith.constant 0 : i32
      %dma_wait3A_61 = tpu.memref_slice %arg8[%arg0, %add3A_43, %dma_wait3A_60] : memref<2x10240x128xf32, #tpu.memory_space<hbm>> -> memref<1x160x128xf32, #tpu.memory_space<hbm>>
      %dma_wait3A_62 = tpu.memref_squeeze %dma_wait3A_61 : memref<1x160x128xf32, #tpu.memory_space<hbm>> -> memref<160x128xf32, #tpu.memory_space<hbm>>
      %dma_wait3A_63 = arith.constant 0 : i32
      %dma_wait3A_64 = arith.constant 0 : i32
      %dma_wait3A_65 = tpu.memref_slice %arg12[%dma_wait3A_63, %dma_wait3A_64] : memref<160x128xf32, #tpu.memory_space<vmem>> -> memref<160x128xf32, #tpu.memory_space<vmem>>
      tpu.wait_dma2 semaphore(%run_scoped3A : memref<!tpu.dma_semaphore, #tpu.memory_space<semaphore_mem>>) src(%dma_wait3A_65 : memref<160x128xf32, #tpu.memory_space<vmem>>) dst(%dma_wait3A_62 : memref<160x128xf32, #tpu.memory_space<hbm>>)
      tpu.yield
    }) : () -> ()
    return
  }
}

module attributes {stable_mosaic.version = 14 : i64} {
  func.func @_edge_lin_body(%arg0: i32, %arg1: memref<2000x16xf32, #tpu.memory_space<vmem>>, %arg2: memref<16x128xf32, #tpu.memory_space<vmem>>, %arg3: memref<1x128xf32, #tpu.memory_space<vmem>>, %arg4: memref<2000x64xf32, #tpu.memory_space<vmem>>, %arg5: memref<2000x64xf32, #tpu.memory_space<vmem>>) attributes {dimension_semantics = [#tpu.dimension_semantics<arbitrary>], iteration_bounds = array<i64: 160>, scalar_prefetch = 0 : i64, scratch_operands = 0 : i64, tpu.core_type = #tpu.core_type<tc>, window_params = [{transform_indices = @transform_0, window_bounds = array<i64: 2000, 16>}, {pipeline_mode = #tpu.pipeline_mode<synchronous>, transform_indices = @transform_1, window_bounds = array<i64: 16, 128>}, {pipeline_mode = #tpu.pipeline_mode<synchronous>, transform_indices = @transform_2, window_bounds = array<i64: 1, 128>}, {transform_indices = @transform_3, window_bounds = array<i64: 2000, 64>}, {transform_indices = @transform_4, window_bounds = array<i64: 2000, 64>}]} {
    %get3A = arith.constant 0 : index
    %get3A_0 = arith.constant 0 : index
    %get3A_1 = vector.load %arg1[%get3A, %get3A_0] : memref<2000x16xf32, #tpu.memory_space<vmem>>, vector<2000x16xf32>
    %get3A_2 = arith.constant 0 : index
    %get3A_3 = arith.constant 0 : index
    %get3A_4 = vector.load %arg2[%get3A_2, %get3A_3] : memref<16x128xf32, #tpu.memory_space<vmem>>, vector<16x128xf32>
    %dot_general3A = arith.constant dense<0.000000e+00> : vector<2000x128xf32>
    %dot_general3A_5 = tpu.matmul %get3A_1, %get3A_4, %dot_general3A {dimension_numbers = #tpu.dot_dimension_numbers<[1], [0], [0], [1], [0, 0, 1, 1], [], []>, transpose_lhs_hint = false} : vector<2000x16xf32>, vector<16x128xf32>, vector<2000x128xf32> -> vector<2000x128xf32>
    %get3A_6 = arith.constant 0 : index
    %get3A_7 = arith.constant 0 : index
    %get3A_8 = vector.load %arg3[%get3A_6, %get3A_7] : memref<1x128xf32, #tpu.memory_space<vmem>>, vector<1x128xf32>
    %add3A = vector.broadcast %get3A_8 : vector<1x128xf32> to vector<2000x128xf32>
    %add3A_9 = arith.addf %dot_general3A_5, %add3A : vector<2000x128xf32>
    %slice3A = vector.extract_strided_slice %add3A_9 {offsets = [0, 0], sizes = [2000, 64], strides = [1, 1]} : vector<2000x128xf32> to vector<2000x64xf32>
    %swap3A = arith.constant 0 : index
    %swap3A_10 = arith.constant 0 : index
    %swap3A_11 = vector.load %arg4[%swap3A, %swap3A_10] : memref<2000x64xf32, #tpu.memory_space<vmem>>, vector<2000x64xf32>
    tpu.vector_store %arg4[%swap3A, %swap3A_10], %slice3A {strides = array<i32>} : memref<2000x64xf32, #tpu.memory_space<vmem>>, vector<2000x64xf32>,
    %slice3A_12 = vector.extract_strided_slice %add3A_9 {offsets = [0, 64], sizes = [2000, 64], strides = [1, 1]} : vector<2000x128xf32> to vector<2000x64xf32>
    %swap3A_13 = arith.constant 0 : index
    %swap3A_14 = arith.constant 0 : index
    %swap3A_15 = vector.load %arg5[%swap3A_13, %swap3A_14] : memref<2000x64xf32, #tpu.memory_space<vmem>>, vector<2000x64xf32>
    tpu.vector_store %arg5[%swap3A_13, %swap3A_14], %slice3A_12 {strides = array<i32>} : memref<2000x64xf32, #tpu.memory_space<vmem>>, vector<2000x64xf32>,
    return
  }
  func.func @transform_0(%arg0: i32) -> (i32, i32) {
    %c0_i32 = arith.constant 0 : i32
    %c0_i32_0 = arith.constant 0 : i32
    return %arg0, %c0_i32 : i32, i32
  }
  func.func @transform_1(%arg0: i32) -> (i32, i32) {
    %c0_i32 = arith.constant 0 : i32
    %c0_i32_0 = arith.constant 0 : i32
    %c0_i32_1 = arith.constant 0 : i32
    return %c0_i32, %c0_i32_0 : i32, i32
  }
  func.func @transform_2(%arg0: i32) -> (i32, i32) {
    %c0_i32 = arith.constant 0 : i32
    %c0_i32_0 = arith.constant 0 : i32
    %c0_i32_1 = arith.constant 0 : i32
    return %c0_i32, %c0_i32_0 : i32, i32
  }
  func.func @transform_3(%arg0: i32) -> (i32, i32) {
    %c0_i32 = arith.constant 0 : i32
    %c0_i32_0 = arith.constant 0 : i32
    return %arg0, %c0_i32 : i32, i32
  }
  func.func @transform_4(%arg0: i32) -> (i32, i32) {
    %c0_i32 = arith.constant 0 : i32
    %c0_i32_0 = arith.constant 0 : i32
    return %arg0, %c0_i32 : i32, i32
  }
}

module attributes {stable_mosaic.version = 14 : i64} {
  func.func @_mlp_body(%arg0: i32, %arg1: memref<1000x128xf32, #tpu.memory_space<vmem>>, %arg2: memref<1000x128xf32, #tpu.memory_space<vmem>>, %arg3: memref<1000x128xf32, #tpu.memory_space<vmem>>, %arg4: memref<128x256xf32, #tpu.memory_space<vmem>>, %arg5: memref<1x256xf32, #tpu.memory_space<vmem>>, %arg6: memref<256x128xf32, #tpu.memory_space<vmem>>, %arg7: memref<1x128xf32, #tpu.memory_space<vmem>>, %arg8: memref<1000x128xf32, #tpu.memory_space<vmem>>, %arg9: memref<8x128xf32, #tpu.memory_space<vmem>>) attributes {dimension_semantics = [#tpu.dimension_semantics<arbitrary>], iteration_bounds = array<i64: 10>, scalar_prefetch = 0 : i64, scratch_operands = 0 : i64, tpu.core_type = #tpu.core_type<tc>, window_params = [{transform_indices = @transform_0, window_bounds = array<i64: 1000, 128>}, {transform_indices = @transform_1, window_bounds = array<i64: 1000, 128>}, {transform_indices = @transform_2, window_bounds = array<i64: 1000, 128>}, {pipeline_mode = #tpu.pipeline_mode<synchronous>, transform_indices = @transform_3, window_bounds = array<i64: 128, 256>}, {pipeline_mode = #tpu.pipeline_mode<synchronous>, transform_indices = @transform_4, window_bounds = array<i64: 1, 256>}, {pipeline_mode = #tpu.pipeline_mode<synchronous>, transform_indices = @transform_5, window_bounds = array<i64: 256, 128>}, {pipeline_mode = #tpu.pipeline_mode<synchronous>, transform_indices = @transform_6, window_bounds = array<i64: 1, 128>}, {transform_indices = @transform_7, window_bounds = array<i64: 1000, 128>}, {pipeline_mode = #tpu.pipeline_mode<synchronous>, transform_indices = @transform_8, window_bounds = array<i64: 8, 128>}]} {
    %get3A = arith.constant 0 : index
    %get3A_0 = arith.constant 0 : index
    %get3A_1 = vector.load %arg2[%get3A, %get3A_0] : memref<1000x128xf32, #tpu.memory_space<vmem>>, vector<1000x128xf32>
    %get3A_2 = arith.constant 0 : index
    %get3A_3 = arith.constant 0 : index
    %get3A_4 = vector.load %arg3[%get3A_2, %get3A_3] : memref<1000x128xf32, #tpu.memory_space<vmem>>, vector<1000x128xf32>
    %add3A = arith.constant 1.000000e-16 : f32
    %add3A_5 = vector.broadcast %add3A : f32 to vector<1000x128xf32>
    %add3A_6 = arith.addf %get3A_4, %add3A_5 : vector<1000x128xf32>
    %div3A = arith.divf %get3A_1, %add3A_6 : vector<1000x128xf32>
    %get3A_7 = arith.constant 0 : index
    %get3A_8 = arith.constant 0 : index
    %get3A_9 = vector.load %arg1[%get3A_7, %get3A_8] : memref<1000x128xf32, #tpu.memory_space<vmem>>, vector<1000x128xf32>
    %add3A_10 = arith.addf %get3A_9, %div3A : vector<1000x128xf32>
    %get3A_11 = arith.constant 0 : index
    %get3A_12 = arith.constant 0 : index
    %get3A_13 = vector.load %arg4[%get3A_11, %get3A_12] : memref<128x256xf32, #tpu.memory_space<vmem>>, vector<128x256xf32>
    %dot_general3A = arith.constant dense<0.000000e+00> : vector<1000x256xf32>
    %dot_general3A_14 = tpu.matmul %add3A_10, %get3A_13, %dot_general3A {dimension_numbers = #tpu.dot_dimension_numbers<[1], [0], [0], [1], [0, 0, 1, 1], [], []>, transpose_lhs_hint = false} : vector<1000x128xf32>, vector<128x256xf32>, vector<1000x256xf32> -> vector<1000x256xf32>
    %get3A_15 = arith.constant 0 : index
    %get3A_16 = arith.constant 0 : index
    %get3A_17 = vector.load %arg5[%get3A_15, %get3A_16] : memref<1x256xf32, #tpu.memory_space<vmem>>, vector<1x256xf32>
    %add3A_18 = vector.broadcast %get3A_17 : vector<1x256xf32> to vector<1000x256xf32>
    %add3A_19 = arith.addf %dot_general3A_14, %add3A_18 : vector<1000x256xf32>
    %max3A = arith.constant 0.000000e+00 : f32
    %max3A_20 = vector.broadcast %max3A : f32 to vector<1000x256xf32>
    %max3A_21 = arith.maximumf %add3A_19, %max3A_20 : vector<1000x256xf32>
    %get3A_22 = arith.constant 0 : index
    %get3A_23 = arith.constant 0 : index
    %get3A_24 = vector.load %arg6[%get3A_22, %get3A_23] : memref<256x128xf32, #tpu.memory_space<vmem>>, vector<256x128xf32>
    %dot_general3A_25 = arith.constant dense<0.000000e+00> : vector<1000x128xf32>
    %dot_general3A_26 = tpu.matmul %max3A_21, %get3A_24, %dot_general3A_25 {dimension_numbers = #tpu.dot_dimension_numbers<[1], [0], [0], [1], [0, 0, 1, 1], [], []>, transpose_lhs_hint = false} : vector<1000x256xf32>, vector<256x128xf32>, vector<1000x128xf32> -> vector<1000x128xf32>
    %get3A_27 = arith.constant 0 : index
    %get3A_28 = arith.constant 0 : index
    %get3A_29 = vector.load %arg7[%get3A_27, %get3A_28] : memref<1x128xf32, #tpu.memory_space<vmem>>, vector<1x128xf32>
    %add3A_30 = vector.broadcast %get3A_29 : vector<1x128xf32> to vector<1000x128xf32>
    %add3A_31 = arith.addf %dot_general3A_26, %add3A_30 : vector<1000x128xf32>
    %swap3A = arith.constant 0 : index
    %swap3A_32 = arith.constant 0 : index
    %swap3A_33 = vector.load %arg8[%swap3A, %swap3A_32] : memref<1000x128xf32, #tpu.memory_space<vmem>>, vector<1000x128xf32>
    tpu.vector_store %arg8[%swap3A, %swap3A_32], %add3A_31 {strides = array<i32>} : memref<1000x128xf32, #tpu.memory_space<vmem>>, vector<1000x128xf32>,
    %reduce_sum3A = arith.constant dense<0.000000e+00> : vector<128xf32>
    %reduce_sum3A_34 = vector.multi_reduction <add>, %add3A_31, %reduce_sum3A [0] : vector<1000x128xf32> to vector<128xf32>
    %broadcast_in_dim3A = vector.shape_cast %reduce_sum3A_34 : vector<128xf32> to vector<1x128xf32>
    %mul3A = arith.mulf %add3A_31, %add3A_31 : vector<1000x128xf32>
    %reduce_sum3A_35 = arith.constant dense<0.000000e+00> : vector<128xf32>
    %reduce_sum3A_36 = vector.multi_reduction <add>, %mul3A, %reduce_sum3A_35 [0] : vector<1000x128xf32> to vector<128xf32>
    %broadcast_in_dim3A_37 = vector.shape_cast %reduce_sum3A_36 : vector<128xf32> to vector<1x128xf32>
    %broadcast_in_dim3A_38 = arith.constant 0.000000e+00 : f32
    %broadcast_in_dim3A_39 = vector.broadcast %broadcast_in_dim3A_38 : f32 to vector<6x128xf32>
    %concatenate3A = tpu.concatenate %broadcast_in_dim3A, %broadcast_in_dim3A_37, %broadcast_in_dim3A_39 in 0 : vector<1x128xf32>, vector<1x128xf32>, vector<6x128xf32> -> vector<8x128xf32>
    %eq3A = arith.constant 0 : i32
    %eq3A_40 = arith.cmpi eq, %arg0, %eq3A : i32
    %convert_element_type3A = arith.extui %eq3A_40 : i1 to i32
    %cond3A = arith.constant 0 : i32
    %cond3A_41 = arith.cmpi ne, %convert_element_type3A, %cond3A : i32
    scf.if %cond3A_41 {
      %swap3A_46 = arith.constant 0 : index
      %swap3A_47 = arith.constant 0 : index
      %swap3A_48 = vector.load %arg9[%swap3A_46, %swap3A_47] : memref<8x128xf32, #tpu.memory_space<vmem>>, vector<8x128xf32>
      tpu.vector_store %arg9[%swap3A_46, %swap3A_47], %concatenate3A {strides = array<i32>} : memref<8x128xf32, #tpu.memory_space<vmem>>, vector<8x128xf32>,
    } else {
    }
    %gt3A = arith.constant 0 : i32
    %gt3A_42 = arith.cmpi sgt, %arg0, %gt3A : i32
    %convert_element_type3A_43 = arith.extui %gt3A_42 : i1 to i32
    %cond3A_44 = arith.constant 0 : i32
    %cond3A_45 = arith.cmpi ne, %convert_element_type3A_43, %cond3A_44 : i32
    scf.if %cond3A_45 {
      %get3A_46 = arith.constant 0 : index
      %get3A_47 = arith.constant 0 : index
      %get3A_48 = vector.load %arg9[%get3A_46, %get3A_47] : memref<8x128xf32, #tpu.memory_space<vmem>>, vector<8x128xf32>
      %add3A_49 = arith.addf %get3A_48, %concatenate3A : vector<8x128xf32>
      %swap3A_50 = arith.constant 0 : index
      %swap3A_51 = arith.constant 0 : index
      %swap3A_52 = vector.load %arg9[%swap3A_50, %swap3A_51] : memref<8x128xf32, #tpu.memory_space<vmem>>, vector<8x128xf32>
      tpu.vector_store %arg9[%swap3A_50, %swap3A_51], %add3A_49 {strides = array<i32>} : memref<8x128xf32, #tpu.memory_space<vmem>>, vector<8x128xf32>,
    } else {
    }
    return
  }
  func.func @transform_0(%arg0: i32) -> (i32, i32) {
    %c0_i32 = arith.constant 0 : i32
    %c0_i32_0 = arith.constant 0 : i32
    return %arg0, %c0_i32 : i32, i32
  }
  func.func @transform_1(%arg0: i32) -> (i32, i32) {
    %c0_i32 = arith.constant 0 : i32
    %c0_i32_0 = arith.constant 0 : i32
    return %arg0, %c0_i32 : i32, i32
  }
  func.func @transform_2(%arg0: i32) -> (i32, i32) {
    %c0_i32 = arith.constant 0 : i32
    %c0_i32_0 = arith.constant 0 : i32
    return %arg0, %c0_i32 : i32, i32
  }
  func.func @transform_3(%arg0: i32) -> (i32, i32) {
    %c0_i32 = arith.constant 0 : i32
    %c0_i32_0 = arith.constant 0 : i32
    %c0_i32_1 = arith.constant 0 : i32
    return %c0_i32, %c0_i32_0 : i32, i32
  }
  func.func @transform_4(%arg0: i32) -> (i32, i32) {
    %c0_i32 = arith.constant 0 : i32
    %c0_i32_0 = arith.constant 0 : i32
    %c0_i32_1 = arith.constant 0 : i32
    return %c0_i32, %c0_i32_0 : i32, i32
  }
  func.func @transform_5(%arg0: i32) -> (i32, i32) {
    %c0_i32 = arith.constant 0 : i32
    %c0_i32_0 = arith.constant 0 : i32
    %c0_i32_1 = arith.constant 0 : i32
    return %c0_i32, %c0_i32_0 : i32, i32
  }
  func.func @transform_6(%arg0: i32) -> (i32, i32) {
    %c0_i32 = arith.constant 0 : i32
    %c0_i32_0 = arith.constant 0 : i32
    %c0_i32_1 = arith.constant 0 : i32
    return %c0_i32, %c0_i32_0 : i32, i32
  }
  func.func @transform_7(%arg0: i32) -> (i32, i32) {
    %c0_i32 = arith.constant 0 : i32
    %c0_i32_0 = arith.constant 0 : i32
    return %arg0, %c0_i32 : i32, i32
  }
  func.func @transform_8(%arg0: i32) -> (i32, i32) {
    %c0_i32 = arith.constant 0 : i32
    %c0_i32_0 = arith.constant 0 : i32
    %c0_i32_1 = arith.constant 0 : i32
    return %c0_i32, %c0_i32_0 : i32, i32
  }
}

module attributes {stable_mosaic.version = 14 : i64} {
  func.func @_bn_silu_lin_body(%arg0: i32, %arg1: memref<1000x128xf32, #tpu.memory_space<vmem>>, %arg2: memref<8x128xf32, #tpu.memory_space<vmem>>, %arg3: memref<1x128xf32, #tpu.memory_space<vmem>>, %arg4: memref<1x128xf32, #tpu.memory_space<vmem>>, %arg5: memref<128x128xf32, #tpu.memory_space<vmem>>, %arg6: memref<1000x128xf32, #tpu.memory_space<vmem>>, %arg7: memref<8x128xf32, #tpu.memory_space<vmem>>) attributes {dimension_semantics = [#tpu.dimension_semantics<arbitrary>], iteration_bounds = array<i64: 10>, scalar_prefetch = 0 : i64, scratch_operands = 0 : i64, tpu.core_type = #tpu.core_type<tc>, window_params = [{transform_indices = @transform_0, window_bounds = array<i64: 1000, 128>}, {pipeline_mode = #tpu.pipeline_mode<synchronous>, transform_indices = @transform_1, window_bounds = array<i64: 8, 128>}, {pipeline_mode = #tpu.pipeline_mode<synchronous>, transform_indices = @transform_2, window_bounds = array<i64: 1, 128>}, {pipeline_mode = #tpu.pipeline_mode<synchronous>, transform_indices = @transform_3, window_bounds = array<i64: 1, 128>}, {pipeline_mode = #tpu.pipeline_mode<synchronous>, transform_indices = @transform_4, window_bounds = array<i64: 128, 128>}, {transform_indices = @transform_5, window_bounds = array<i64: 1000, 128>}, {pipeline_mode = #tpu.pipeline_mode<synchronous>, transform_indices = @transform_6, window_bounds = array<i64: 8, 128>}]} {
    %get3A = arith.constant 0 : index
    %get3A_0 = arith.constant 0 : index
    %get3A_1 = vector.load %arg2[%get3A, %get3A_0] : memref<8x128xf32, #tpu.memory_space<vmem>>, vector<8x128xf32>
    %slice3A = vector.extract_strided_slice %get3A_1 {offsets = [0, 0], sizes = [1, 128], strides = [1, 1]} : vector<8x128xf32> to vector<1x128xf32>
    %mul3A = arith.constant 9.99999974E-5 : f32
    %mul3A_2 = vector.broadcast %mul3A : f32 to vector<1x128xf32>
    %mul3A_3 = arith.mulf %slice3A, %mul3A_2 : vector<1x128xf32>
    %slice3A_4 = vector.extract_strided_slice %get3A_1 {offsets = [1, 0], sizes = [1, 128], strides = [1, 1]} : vector<8x128xf32> to vector<1x128xf32>
    %mul3A_5 = arith.constant 9.99999974E-5 : f32
    %mul3A_6 = vector.broadcast %mul3A_5 : f32 to vector<1x128xf32>
    %mul3A_7 = arith.mulf %slice3A_4, %mul3A_6 : vector<1x128xf32>
    %mul3A_8 = arith.mulf %mul3A_3, %mul3A_3 : vector<1x128xf32>
    %sub3A = arith.subf %mul3A_7, %mul3A_8 : vector<1x128xf32>
    %get3A_9 = arith.constant 0 : index
    %get3A_10 = arith.constant 0 : index
    %get3A_11 = vector.load %arg1[%get3A_9, %get3A_10] : memref<1000x128xf32, #tpu.memory_space<vmem>>, vector<1000x128xf32>
    %sub3A_12 = vector.broadcast %mul3A_3 : vector<1x128xf32> to vector<1000x128xf32>
    %sub3A_13 = arith.subf %get3A_11, %sub3A_12 : vector<1000x128xf32>
    %add3A = arith.constant 9.99999974E-6 : f32
    %add3A_14 = vector.broadcast %add3A : f32 to vector<1x128xf32>
    %add3A_15 = arith.addf %sub3A, %add3A_14 : vector<1x128xf32>
    %rsqrt3A = math.rsqrt %add3A_15 : vector<1x128xf32>
    %mul3A_16 = vector.broadcast %rsqrt3A : vector<1x128xf32> to vector<1000x128xf32>
    %mul3A_17 = arith.mulf %sub3A_13, %mul3A_16 : vector<1000x128xf32>
    %get3A_18 = arith.constant 0 : index
    %get3A_19 = arith.constant 0 : index
    %get3A_20 = vector.load %arg3[%get3A_18, %get3A_19] : memref<1x128xf32, #tpu.memory_space<vmem>>, vector<1x128xf32>
    %mul3A_21 = vector.broadcast %get3A_20 : vector<1x128xf32> to vector<1000x128xf32>
    %mul3A_22 = arith.mulf %mul3A_17, %mul3A_21 : vector<1000x128xf32>
    %get3A_23 = arith.constant 0 : index
    %get3A_24 = arith.constant 0 : index
    %get3A_25 = vector.load %arg4[%get3A_23, %get3A_24] : memref<1x128xf32, #tpu.memory_space<vmem>>, vector<1x128xf32>
    %add3A_26 = vector.broadcast %get3A_25 : vector<1x128xf32> to vector<1000x128xf32>
    %add3A_27 = arith.addf %mul3A_22, %add3A_26 : vector<1000x128xf32>
    %logistic3A = arith.negf %add3A_27 : vector<1000x128xf32>
    %logistic3A_28 = math.exp %logistic3A : vector<1000x128xf32>
    %logistic3A_29 = arith.constant 1.000000e+00 : f32
    %logistic3A_30 = vector.broadcast %logistic3A_29 : f32 to vector<1000x128xf32>
    %logistic3A_31 = arith.addf %logistic3A_30, %logistic3A_28 : vector<1000x128xf32>
    %logistic3A_32 = arith.divf %logistic3A_30, %logistic3A_31 : vector<1000x128xf32>
    %mul3A_33 = arith.mulf %add3A_27, %logistic3A_32 : vector<1000x128xf32>
    %get3A_34 = arith.constant 0 : index
    %get3A_35 = arith.constant 0 : index
    %get3A_36 = vector.load %arg5[%get3A_34, %get3A_35] : memref<128x128xf32, #tpu.memory_space<vmem>>, vector<128x128xf32>
    %dot_general3A = arith.constant dense<0.000000e+00> : vector<1000x128xf32>
    %dot_general3A_37 = tpu.matmul %mul3A_33, %get3A_36, %dot_general3A {dimension_numbers = #tpu.dot_dimension_numbers<[1], [0], [0], [1], [0, 0, 1, 1], [], []>, transpose_lhs_hint = false} : vector<1000x128xf32>, vector<128x128xf32>, vector<1000x128xf32> -> vector<1000x128xf32>
    %swap3A = arith.constant 0 : index
    %swap3A_38 = arith.constant 0 : index
    %swap3A_39 = vector.load %arg6[%swap3A, %swap3A_38] : memref<1000x128xf32, #tpu.memory_space<vmem>>, vector<1000x128xf32>
    tpu.vector_store %arg6[%swap3A, %swap3A_38], %dot_general3A_37 {strides = array<i32>} : memref<1000x128xf32, #tpu.memory_space<vmem>>, vector<1000x128xf32>,
    %reduce_sum3A = arith.constant dense<0.000000e+00> : vector<128xf32>
    %reduce_sum3A_40 = vector.multi_reduction <add>, %dot_general3A_37, %reduce_sum3A [0] : vector<1000x128xf32> to vector<128xf32>
    %broadcast_in_dim3A = vector.shape_cast %reduce_sum3A_40 : vector<128xf32> to vector<1x128xf32>
    %mul3A_41 = arith.mulf %dot_general3A_37, %dot_general3A_37 : vector<1000x128xf32>
    %reduce_sum3A_42 = arith.constant dense<0.000000e+00> : vector<128xf32>
    %reduce_sum3A_43 = vector.multi_reduction <add>, %mul3A_41, %reduce_sum3A_42 [0] : vector<1000x128xf32> to vector<128xf32>
    %broadcast_in_dim3A_44 = vector.shape_cast %reduce_sum3A_43 : vector<128xf32> to vector<1x128xf32>
    %broadcast_in_dim3A_45 = arith.constant 0.000000e+00 : f32
    %broadcast_in_dim3A_46 = vector.broadcast %broadcast_in_dim3A_45 : f32 to vector<6x128xf32>
    %concatenate3A = tpu.concatenate %broadcast_in_dim3A, %broadcast_in_dim3A_44, %broadcast_in_dim3A_46 in 0 : vector<1x128xf32>, vector<1x128xf32>, vector<6x128xf32> -> vector<8x128xf32>
    %eq3A = arith.constant 0 : i32
    %eq3A_47 = arith.cmpi eq, %arg0, %eq3A : i32
    %convert_element_type3A = arith.extui %eq3A_47 : i1 to i32
    %cond3A = arith.constant 0 : i32
    %cond3A_48 = arith.cmpi ne, %convert_element_type3A, %cond3A : i32
    scf.if %cond3A_48 {
      %swap3A_53 = arith.constant 0 : index
      %swap3A_54 = arith.constant 0 : index
      %swap3A_55 = vector.load %arg7[%swap3A_53, %swap3A_54] : memref<8x128xf32, #tpu.memory_space<vmem>>, vector<8x128xf32>
      tpu.vector_store %arg7[%swap3A_53, %swap3A_54], %concatenate3A {strides = array<i32>} : memref<8x128xf32, #tpu.memory_space<vmem>>, vector<8x128xf32>,
    } else {
    }
    %gt3A = arith.constant 0 : i32
    %gt3A_49 = arith.cmpi sgt, %arg0, %gt3A : i32
    %convert_element_type3A_50 = arith.extui %gt3A_49 : i1 to i32
    %cond3A_51 = arith.constant 0 : i32
    %cond3A_52 = arith.cmpi ne, %convert_element_type3A_50, %cond3A_51 : i32
    scf.if %cond3A_52 {
      %get3A_53 = arith.constant 0 : index
      %get3A_54 = arith.constant 0 : index
      %get3A_55 = vector.load %arg7[%get3A_53, %get3A_54] : memref<8x128xf32, #tpu.memory_space<vmem>>, vector<8x128xf32>
      %add3A_56 = arith.addf %get3A_55, %concatenate3A : vector<8x128xf32>
      %swap3A_57 = arith.constant 0 : index
      %swap3A_58 = arith.constant 0 : index
      %swap3A_59 = vector.load %arg7[%swap3A_57, %swap3A_58] : memref<8x128xf32, #tpu.memory_space<vmem>>, vector<8x128xf32>
      tpu.vector_store %arg7[%swap3A_57, %swap3A_58], %add3A_56 {strides = array<i32>} : memref<8x128xf32, #tpu.memory_space<vmem>>, vector<8x128xf32>,
    } else {
    }
    return
  }
  func.func @transform_0(%arg0: i32) -> (i32, i32) {
    %c0_i32 = arith.constant 0 : i32
    %c0_i32_0 = arith.constant 0 : i32
    return %arg0, %c0_i32 : i32, i32
  }
  func.func @transform_1(%arg0: i32) -> (i32, i32) {
    %c0_i32 = arith.constant 0 : i32
    %c0_i32_0 = arith.constant 0 : i32
    %c0_i32_1 = arith.constant 0 : i32
    return %c0_i32, %c0_i32_0 : i32, i32
  }
  func.func @transform_2(%arg0: i32) -> (i32, i32) {
    %c0_i32 = arith.constant 0 : i32
    %c0_i32_0 = arith.constant 0 : i32
    %c0_i32_1 = arith.constant 0 : i32
    return %c0_i32, %c0_i32_0 : i32, i32
  }
  func.func @transform_3(%arg0: i32) -> (i32, i32) {
    %c0_i32 = arith.constant 0 : i32
    %c0_i32_0 = arith.constant 0 : i32
    %c0_i32_1 = arith.constant 0 : i32
    return %c0_i32, %c0_i32_0 : i32, i32
  }
  func.func @transform_4(%arg0: i32) -> (i32, i32) {
    %c0_i32 = arith.constant 0 : i32
    %c0_i32_0 = arith.constant 0 : i32
    %c0_i32_1 = arith.constant 0 : i32
    return %c0_i32, %c0_i32_0 : i32, i32
  }
  func.func @transform_5(%arg0: i32) -> (i32, i32) {
    %c0_i32 = arith.constant 0 : i32
    %c0_i32_0 = arith.constant 0 : i32
    return %arg0, %c0_i32 : i32, i32
  }
  func.func @transform_6(%arg0: i32) -> (i32, i32) {
    %c0_i32 = arith.constant 0 : i32
    %c0_i32_0 = arith.constant 0 : i32
    %c0_i32_1 = arith.constant 0 : i32
    return %c0_i32, %c0_i32_0 : i32, i32
  }
}

module attributes {stable_mosaic.version = 14 : i64} {
  func.func @_bn_silu_body(%arg0: i32, %arg1: memref<1000x128xf32, #tpu.memory_space<vmem>>, %arg2: memref<8x128xf32, #tpu.memory_space<vmem>>, %arg3: memref<1x128xf32, #tpu.memory_space<vmem>>, %arg4: memref<1x128xf32, #tpu.memory_space<vmem>>, %arg5: memref<1000x128xf32, #tpu.memory_space<vmem>>) attributes {dimension_semantics = [#tpu.dimension_semantics<arbitrary>], iteration_bounds = array<i64: 10>, scalar_prefetch = 0 : i64, scratch_operands = 0 : i64, tpu.core_type = #tpu.core_type<tc>, window_params = [{transform_indices = @transform_0, window_bounds = array<i64: 1000, 128>}, {pipeline_mode = #tpu.pipeline_mode<synchronous>, transform_indices = @transform_1, window_bounds = array<i64: 8, 128>}, {pipeline_mode = #tpu.pipeline_mode<synchronous>, transform_indices = @transform_2, window_bounds = array<i64: 1, 128>}, {pipeline_mode = #tpu.pipeline_mode<synchronous>, transform_indices = @transform_3, window_bounds = array<i64: 1, 128>}, {transform_indices = @transform_4, window_bounds = array<i64: 1000, 128>}]} {
    %get3A = arith.constant 0 : index
    %get3A_0 = arith.constant 0 : index
    %get3A_1 = vector.load %arg2[%get3A, %get3A_0] : memref<8x128xf32, #tpu.memory_space<vmem>>, vector<8x128xf32>
    %slice3A = vector.extract_strided_slice %get3A_1 {offsets = [0, 0], sizes = [1, 128], strides = [1, 1]} : vector<8x128xf32> to vector<1x128xf32>
    %mul3A = arith.constant 9.99999974E-5 : f32
    %mul3A_2 = vector.broadcast %mul3A : f32 to vector<1x128xf32>
    %mul3A_3 = arith.mulf %slice3A, %mul3A_2 : vector<1x128xf32>
    %slice3A_4 = vector.extract_strided_slice %get3A_1 {offsets = [1, 0], sizes = [1, 128], strides = [1, 1]} : vector<8x128xf32> to vector<1x128xf32>
    %mul3A_5 = arith.constant 9.99999974E-5 : f32
    %mul3A_6 = vector.broadcast %mul3A_5 : f32 to vector<1x128xf32>
    %mul3A_7 = arith.mulf %slice3A_4, %mul3A_6 : vector<1x128xf32>
    %mul3A_8 = arith.mulf %mul3A_3, %mul3A_3 : vector<1x128xf32>
    %sub3A = arith.subf %mul3A_7, %mul3A_8 : vector<1x128xf32>
    %get3A_9 = arith.constant 0 : index
    %get3A_10 = arith.constant 0 : index
    %get3A_11 = vector.load %arg1[%get3A_9, %get3A_10] : memref<1000x128xf32, #tpu.memory_space<vmem>>, vector<1000x128xf32>
    %sub3A_12 = vector.broadcast %mul3A_3 : vector<1x128xf32> to vector<1000x128xf32>
    %sub3A_13 = arith.subf %get3A_11, %sub3A_12 : vector<1000x128xf32>
    %add3A = arith.constant 9.99999974E-6 : f32
    %add3A_14 = vector.broadcast %add3A : f32 to vector<1x128xf32>
    %add3A_15 = arith.addf %sub3A, %add3A_14 : vector<1x128xf32>
    %rsqrt3A = math.rsqrt %add3A_15 : vector<1x128xf32>
    %mul3A_16 = vector.broadcast %rsqrt3A : vector<1x128xf32> to vector<1000x128xf32>
    %mul3A_17 = arith.mulf %sub3A_13, %mul3A_16 : vector<1000x128xf32>
    %get3A_18 = arith.constant 0 : index
    %get3A_19 = arith.constant 0 : index
    %get3A_20 = vector.load %arg3[%get3A_18, %get3A_19] : memref<1x128xf32, #tpu.memory_space<vmem>>, vector<1x128xf32>
    %mul3A_21 = vector.broadcast %get3A_20 : vector<1x128xf32> to vector<1000x128xf32>
    %mul3A_22 = arith.mulf %mul3A_17, %mul3A_21 : vector<1000x128xf32>
    %get3A_23 = arith.constant 0 : index
    %get3A_24 = arith.constant 0 : index
    %get3A_25 = vector.load %arg4[%get3A_23, %get3A_24] : memref<1x128xf32, #tpu.memory_space<vmem>>, vector<1x128xf32>
    %add3A_26 = vector.broadcast %get3A_25 : vector<1x128xf32> to vector<1000x128xf32>
    %add3A_27 = arith.addf %mul3A_22, %add3A_26 : vector<1000x128xf32>
    %logistic3A = arith.negf %add3A_27 : vector<1000x128xf32>
    %logistic3A_28 = math.exp %logistic3A : vector<1000x128xf32>
    %logistic3A_29 = arith.constant 1.000000e+00 : f32
    %logistic3A_30 = vector.broadcast %logistic3A_29 : f32 to vector<1000x128xf32>
    %logistic3A_31 = arith.addf %logistic3A_30, %logistic3A_28 : vector<1000x128xf32>
    %logistic3A_32 = arith.divf %logistic3A_30, %logistic3A_31 : vector<1000x128xf32>
    %mul3A_33 = arith.mulf %add3A_27, %logistic3A_32 : vector<1000x128xf32>
    %swap3A = arith.constant 0 : index
    %swap3A_34 = arith.constant 0 : index
    %swap3A_35 = vector.load %arg5[%swap3A, %swap3A_34] : memref<1000x128xf32, #tpu.memory_space<vmem>>, vector<1000x128xf32>
    tpu.vector_store %arg5[%swap3A, %swap3A_34], %mul3A_33 {strides = array<i32>} : memref<1000x128xf32, #tpu.memory_space<vmem>>, vector<1000x128xf32>,
    return
  }
  func.func @transform_0(%arg0: i32) -> (i32, i32) {
    %c0_i32 = arith.constant 0 : i32
    %c0_i32_0 = arith.constant 0 : i32
    return %arg0, %c0_i32 : i32, i32
  }
  func.func @transform_1(%arg0: i32) -> (i32, i32) {
    %c0_i32 = arith.constant 0 : i32
    %c0_i32_0 = arith.constant 0 : i32
    %c0_i32_1 = arith.constant 0 : i32
    return %c0_i32, %c0_i32_0 : i32, i32
  }
  func.func @transform_2(%arg0: i32) -> (i32, i32) {
    %c0_i32 = arith.constant 0 : i32
    %c0_i32_0 = arith.constant 0 : i32
    %c0_i32_1 = arith.constant 0 : i32
    return %c0_i32, %c0_i32_0 : i32, i32
  }
  func.func @transform_3(%arg0: i32) -> (i32, i32) {
    %c0_i32 = arith.constant 0 : i32
    %c0_i32_0 = arith.constant 0 : i32
    %c0_i32_1 = arith.constant 0 : i32
    return %c0_i32, %c0_i32_0 : i32, i32
  }
  func.func @transform_4(%arg0: i32) -> (i32, i32) {
    %c0_i32 = arith.constant 0 : i32
    %c0_i32_0 = arith.constant 0 : i32
    return %arg0, %c0_i32 : i32, i32
  }
}

</mosaic_0001>

<sc_bundles>
// kernel: kernel.7.cloned.1.call-start
scs
__scs_entry_jumppad:
0x0: {  	(pc) =	sbr.rel $0x88, $3  }
0x1: {  	(tag) =	ssettag $0x0;
	lr =	simm.s32 $0x1  }
0x2: {  	[smem:$0x3F92] =	sst lr;
	_ =	strace $0xD0000000  }
0x3: {  	_ = 	snop  }
0x4: {  	_ = 	snop  }
0x5: {  	_ = 	snop  }
0x6: {  	_ = 	snop  }
0x7: {  	_ = 	snop  }
__scs_overlays_trampoline_lowered:
0x8: {  	[smem:$0x3FA1] =	sst s0  }
0x9: {  	[smem:$0x3FA2] =	sst s1  }
0xa: {  	[smem:$0x3FA3] =	sst s2  }
0xb: {  	[smem:$0x3FA4] =	sst s3  }
0xc: {  	[smem:$0x3FA5] =	sst s4  }
0xd: {  	[smem:$0x3FA6] =	sst s5  }
0xe: {  	[smem:$0x3FA7] =	sst s6  }
0xf: {  	[smem:$0x3FA8] =	sst s7  }
0x10: {  	[smem:$0x3FA9] =	sst s8  }
0x11: {  	[smem:$0x3FAA] =	sst s9;
	s0 =	simm.s32 @!p0 $0x0  }
0x12: {  	s1 =	sld [smem:$0x3F90];
	s0 =	simm.s32 @p0 $0x1  }
0x13: {  	[smem:$0x3FAB] =	sst s0;
	s0 =	simm.s32 @!p1 $0x0  }
0x14: {  	s2 =	sld [smem:$0x3F8F];
	s0 =	simm.s32 @p1 $0x1  }
0x15: {  	[smem:$0x3FAC] =	sst s0;
	s0 =	simm.s32 @!p2 $0x0  }
0x16: {  	s3 =	sld [smem:$0x3FDB];
	s0 =	simm.s32 @p2 $0x1  }
0x17: {  	s4 =	simm.s32 $0x1BF5;
	[smem:$0x3FAE] =	sst s0  }
0x18: {  	s0 =	sld [smem:$0x3F91];
	_ =	swait.ge [sflag:s4], $0x0  }
0x19: {  	s7 =	sld [smem:$0x3F92]  }
0x1a: {  	s8 =	sadd.s32 $0xFFFFE003, lr  }
0x1b: {  	s9 =	sadd.s32 $0xFFFFFEF7, lr;
	s5 =	simm.s32 $0xFFFFFFFF;
	p2 =	slt.u32 s8, $0xFFFFF086  }
0x1c: {  	p1 =	slt.u32 s9, $0xF7A;
	s5 =	simm.s32 @!p2 $0x0  }
0x1d: {  	s5 =	simm.s32 @p1 $0x1;
	p0 =	seq.s32 s7, s2  }
0x1e: {  	s7 =	smul.u32 @!p0 $0xF7A, s2;
	p2 =	seq.s32 @!p0 s5, $0x0  }
0x1f: {  	s9 =	smul.u32 $0xF7A, s1;
	s8 =	simm.s32 @!p0 $0x1BF5;
	p2 =	por !p2, p0  }
0x20: {  	[sflag:s8] =	ssyncset.s32 @!p0 $0xFFFFF086;
	s6 =	sadd.s32 @!p0 s3, s7;
	s7 =	simm.s32 @!p0 $0x108  }
0x21: {  	s3 =	sadd.s32 s3, s9;
	s6 =	sadd.s32 @!p0 $0x88, s6;
	s7 =	simm.s32 @p2 $0x1082  }
0x22: {  	[simem:s7], [sflag:s8] =	dma.local @!p0 [hbm:s6], $0xF7A  }
0x23: {  	s9 =	sor.u32 $0xD0000000, s2;
	s6 =	simm.s32 $0x108;
	_ =	swait.ge @!p0 [sflag:s8], $0x0  }
0x24: {  	s3 =	sadd.s32 $0x88, s3;
	s6 =	simm.s32 @!p1 $0x1082;
	[sflag:s4] =	ssyncset.s32 $0xFFFFF086  }
0x25: {  	[simem:s6], [sflag:s4] =	dma.local [hbm:s3], $0xF7A  }
0x26: {  	[smem:$0x3F92] =	sst s1;
	(tag) =	ssettag s2;
	_ =	strace s9  }
0x27: {  	s1 =	sld [smem:$0x3FA2]  }
0x28: {  	s2 =	sld [smem:$0x3FA3]  }
0x29: {  	s4 =	sld [smem:$0x3FA5]  }
0x2a: {  	p0 =	seq.s32 s5, $0x0;
	s5 =	sld [smem:$0x3FA6]  }
0x2b: {  	s6 =	sld [smem:$0x3FA7]  }
0x2c: {  	s7 =	sld [smem:$0x3FA8]  }
0x2d: {  	s3 =	simm.s32 $0x108;
	s8 =	sld [smem:$0x3FA9]  }
0x2e: {  	s3 =	simm.s32 @!p0 $0x1082;
	s9 =	sld [smem:$0x3FAA]  }
0x2f: {  	lr =	sadd.s32 s0, s3;
	s0 =	sld [smem:$0x3FA1]  }
0x30: {  	s3 =	sld [smem:$0x3FA4]  }
0x31: {  	[smem:$0x3FAD] =	sst s10  }
0x32: {  	s10 =	sld [smem:$0x3FAB];
	_ =	sdelay $0x3  }
0x33: {  	p0 =	seq.s32 s10, $0x1;
	s10 =	sld [smem:$0x3FAD];
	_ =	sdelay $0x3  }
0x34: {  	[smem:$0x3FAD] =	sst s10  }
0x35: {  	s10 =	sld [smem:$0x3FAC];
	_ =	sdelay $0x3  }
0x36: {  	p1 =	seq.s32 s10, $0x1;
	s10 =	sld [smem:$0x3FAD];
	_ =	sdelay $0x3  }
0x37: {  	[smem:$0x3FAD] =	sst s10  }
0x38: {  	s10 =	sld [smem:$0x3FAE]  }
0x39: {  	_ = 	snop;
	(pc) =	sbr.ind lr, $3  }
0x3a: {  	_ = 	snop  }
0x3b: {  	_ = 	snop  }
0x3c: {  	p2 =	seq.s32 s10, $0x1;
	s10 =	sld [smem:$0x3FAD]  }
0x3d: {  	_ =	shalt  }
0x3e: {  	_ =	shalt  }
0x3f: {  	_ =	shalt  }
0x40: {  	_ =	shalt  }
0x41: {  	_ =	shalt  }
0x42: {  	_ =	shalt  }
0x43: {  	_ =	shalt  }
0x44: {  	_ =	shalt  }
0x45: {  	_ =	shalt  }
0x46: {  	_ =	shalt  }
0x47: {  	_ =	shalt  }
0x48: {  	_ =	shalt  }
0x49: {  	_ =	shalt  }
0x4a: {  	_ =	shalt  }
0x4b: {  	_ =	shalt  }
0x4c: {  	_ =	shalt  }
0x4d: {  	_ =	shalt  }
0x4e: {  	_ =	shalt  }
0x4f: {  	_ =	shalt  }
0x50: {  	_ =	shalt  }
0x51: {  	_ =	shalt  }
0x52: {  	_ =	shalt  }
0x53: {  	_ =	shalt  }
0x54: {  	_ =	shalt  }
0x55: {  	_ =	shalt  }
0x56: {  	_ =	shalt  }
0x57: {  	_ =	shalt  }
0x58: {  	_ =	shalt  }
0x59: {  	_ =	shalt  }
0x5a: {  	_ =	shalt  }
0x5b: {  	_ =	shalt  }
0x5c: {  	_ =	shalt  }
0x5d: {  	_ =	shalt  }
0x5e: {  	_ =	shalt  }
0x5f: {  	_ =	shalt  }
0x60: {  	_ =	shalt  }
0x61: {  	_ =	shalt  }
0x62: {  	_ =	shalt  }
0x63: {  	_ =	shalt  }
0x64: {  	_ =	shalt  }
0x65: {  	_ =	shalt  }
0x66: {  	_ =	shalt  }
0x67: {  	_ =	shalt  }
0x68: {  	_ =	shalt  }
0x69: {  	_ =	shalt  }
0x6a: {  	_ =	shalt  }
0x6b: {  	_ =	shalt  }
0x6c: {  	_ =	shalt  }
0x6d: {  	_ =	shalt  }
0x6e: {  	_ =	shalt  }
0x6f: {  	_ =	shalt  }
0x70: {  	_ =	shalt  }
0x71: {  	_ =	shalt  }
0x72: {  	_ =	shalt  }
0x73: {  	_ =	shalt  }
0x74: {  	_ =	shalt  }
0x75: {  	_ =	shalt  }
0x76: {  	_ =	shalt  }
0x77: {  	_ =	shalt  }
0x78: {  	_ =	shalt  }
0x79: {  	_ =	shalt  }
0x7a: {  	_ =	shalt  }
0x7b: {  	_ =	shalt  }
0x7c: {  	_ =	shalt  }
0x7d: {  	_ =	shalt  }
0x7e: {  	_ =	shalt  }
0x7f: {  	_ =	shalt  }
0x80: {  	_ =	shalt  }
0x81: {  	_ =	shalt  }
0x82: {  	_ =	shalt  }
0x83: {  	_ =	shalt  }
0x84: {  	_ =	shalt  }
0x85: {  	_ =	shalt  }
0x86: {  	_ =	shalt  }
0x87: {  	_ =	shalt  }
.Lfunc_end0:
.L_simem_size_0:
called_computation_lowered:
.L_overlay_start_0:
0x88: {  	s2 =	sld [smem:$0x3FD9]  }
0x89: {  	s3 =	sld [smem:$0x3FFE];
	_ =	sdelay $0x1  }
0x8a: {  	s1 =	srdreg.scid  }
0x8b: {  	s0 =	sand.u32 $0x1, s1  }
0x8c: {  	s17 =	sshll.u32 s0, $0xA;
	s2 =	sadd.s32 s3, s2  }
0x8d: {  	s2 =	sadd.s32 s2, s17  }
0x8e: {  	[smem:$0x3FB9] =	sst s2  }
0x8f: {  	_ = 	snop  }
0x90: {  	s2 =	sld [smem:$0x3FC9]  }
0x91: {  	s18 =	sld [smem:$0x3FD0];
	(tm) =	ssettm $0x1  }
0x92: {  	s4 =	sld [smem:$0x3FFB];
	_ =	sdelay $0x3  }
0x93: {  	_ =	strace s4  }
0x94: {  	s4 =	sld [smem:$0x3FFC];
	_ =	sdelay $0x3  }
0x95: {  	_ =	strace s4  }
0x96: {  	s4 =	sld [smem:$0x3FFD];
	_ =	sdelay $0x3  }
0x97: {  	_ =	strace s4  }
0x98: {  	_ =	strace $0x8FFFFFFF  }
0x99: {  	s19 =	sld [smem:$0x3FDB];
	_ =	sdelay $0x1  }
0x9a: {  	s5 =	simm.s32 $_scs_section_size  }
0x9b: {  	s6 =	simm.s32 $_size__tile_overlayer_lowered;
	s7 =	simm.s32 $_tile_overlayer_lowered  }
0x9c: {  	s22 =	simm.s32 $0x1BFF;
	s21 =	sshll.u32 s7, $0x1;
	s4 =	sadd.s32 s5, s19  }
0x9d: {  	s8 =	simm.s32 $0x0;
	s20 =	sshll.u32 s6, $0x1;
	s6 =	sadd.s32 s21, s4  }
0x9e: {  	[timem:s8], [sflag:s22] =	dma.local [hbm:s6], s20  }
0x9f: {  	_ =	swait.ge [sflag:s22], s20  }
0xa0: {  	s5 =	ssub.s32 $0x0, s20;
	[sflag:s22] =	ssyncset.done $0x0  }
0xa1: {  	[sflag:s22] =	ssyncadd.s32 s5;
	_ =	sdelay $0x1  }
0xa2: {  	s23 =	simm.s32 $0x1B8B  }
0xa3: {  	_ =	swait.ge [sflag:s23], $0x1  }
0xa4: {  	[sflag:s23] =	ssyncset.done $0x0  }
0xa5: {  	s25 =	simm.s32 $0x1B8E;
	s24 =	sld [smem:$0x3FFE];
	[sflag:s23] =	ssyncadd.s32 $0xFFFFFFFF  }
0xa6: {  	s26 =	simm.s32 $execute0_lowered;
	[smem:$0x3FD2] =	sst s25  }
0xa7: {  	s6 =	sshll.u32 s26, $0x1;
	_ =	strace $0x80000046;
	[dreg:$0x1] =	wrdreg $0xFFFFFFFF  }
0xa8: {  	s28 =	simm.s32 $_size_execute0_lowered;
	s4 =	sadd.s32 s4, s6;
	[dreg:$0x0] =	wrdreg $0x0  }
0xa9: {  	s6 =	sshll.u32 s28, $0x1;
	[dreg:$0x2] =	wrdreg s4  }
0xaa: {  	[dreg:$0x3] =	wrdreg s6  }
0xab: {  	[dreg:$0x4] =	wrdreg $0xC0  }
0xac: {  	_ =	task [dreg:s8], $0x5FFFF  }
0xad: {  	[dreg:$0x1] =	wrdreg $0xFFFFFFFF  }
0xae: {  	[dreg:$0x0] =	wrdreg $0x60  }
0xaf: {  	[dreg:$0x2] =	wrdreg s2  }
0xb0: {  	[dreg:$0x3] =	wrdreg s24  }
0xb1: {  	[dreg:$0x4] =	wrdreg s18  }
0xb2: {  	[dreg:$0x5] =	wrdreg $0x0  }
0xb3: {  	[dreg:$0x6] =	wrdreg $0x9  }
0xb4: {  	_ =	task.clear_ibuf [dreg:s8], $0x7FFFF;
	_ =	strace $0x90000046  }
0xb5: {  	s29 =	simm.s32 $0x9;
	_ =	strace $0x80000048  }
0xb6: {  	_ =	swait.ge [sflag:s29], $0x1  }
0xb7: {  	[sflag:s29] =	ssyncadd.s32 $0xFFFFFFFF  }
0xb8: {  	_ =	strace $0x90000048  }
0xb9: {  	_ =	sfence  }
0xba: {  	s30 =	sld [smem:$0x0];
	_ =	sdelay $0x2  }
0xbb: {  	s31 =	sshll.u32 s1, $0xD;
	s1 =	sshrl.u32 s1, $0x2  }
0xbc: {  	s3 =	sand.u32 $0x4000, s31;
	s1 =	sadd.s32 s1, s30  }
0xbd: {  	s0 =	sor.u32 s3, s0;
	s1 =	sshll.u32 s1, $0x11  }
0xbe: {  	s0 =	sor.u32 s1, s0  }
0xbf: {  	s0 =	sadd.s32 $0x8F2B, s0  }
0xc0: {  	[sflag:s0] =	ssyncadd.remote.s32 $0x1  }
0xc1: {  	_ =	sfence.sel $0xFFFF  }
0xc2: {  	[dreg:$0x0] =	wrdreg $0xFFFFFFFF;
	(pc) =	sbr.abs _section_cstart, $3  }
0xc3: {  	[dreg:$0x1] =	wrdreg $0xFFFFFFFF  }
0xc4: {  	_ =	task.clear_ibuf [dreg:s8], $0x2FFFF;
	_ =	strace $0x9FFFFFFF  }
0xc5: {  	(tm) =	ssettm $0x7FFFFFFF  }
tec
execute0_lowered:
.L_overlay_start_1:
0x0: {  	(tag) =	ssettag $0x1  }
0x1: {  	s1 =	rddreg [dreg:$0x0]  }
0x2: {  	s0 =	rddreg [dreg:$0x1]  }
0x3: {  	s2 =	rddreg [dreg:$0x2]  }
0x4: {  	s4 =	rddreg [dreg:$0x3];
	s5 =	simm.s32 $0x0;
	s19 =	stileid.u32  }
0x5: {  	s3 =	srdreg.scid;
	s20 =	simm.s32 $0x9D5A00;
	s7 =	smul.u32 $0x50000, s19  }
0x6: {  	[smem:$0x7FF] =	sst s5;
	s6 =	sadd.s32 $0x4E4000, s0;
	s13 =	smul.u32 $0x14000, s19  }
0x7: {  	s3 =	sand.u32 $0x1, s3;
	s8 =	sadd.s32 $0x2000, s0;
	s12 =	smul.u32 $0x7D, s19  }
0x8: {  	s16 =	sadd.s32 $0x2200, s0;
	s19 =	smul.u32 $0x4E200, s19;
	_ =	strace $0x80000047  }
0x9: {  	[dreg:$0x5] =	wrdreg s8;
	s25 =	ssub.s32 $0x2, s3;
	s18 =	smul.u32 $0x140000, s3  }
0xa: {  	p0 =	seq.s32 s3, $0x1;
	s3 =	sshll.u32 s3, $0x6;
	s9 =	sshrl.u32 s25, $0x1  }
0xb: {  	s7 =	sshrl.u32 s7, $0x2;
	s14 =	sadd.s32 $0x5000, s13;
	s26 =	sadd.s32 $0xA000, s13  }
0xc: {  	s15 =	sadd.s32 $0xF000, s13;
	s20 =	simm.s32 @!p0 $0x4F3A00;
	s17 =	ssub.s32 s25, s9  }
0xd: {  	s8 =	sadd.s32 s7, s4;
	s9 =	sadd.s32 s14, s4;
	s11 =	sadd.s32 s15, s4  }
0xe: {  	s13 =	sadd.s32 s13, s18;
	s14 =	sadd.s32 s18, s14;
	s7 =	sadd.s32 s18, s26  }
0xf: {  	s18 =	sadd.s32 s18, s15;
	s0 =	sadd.s32 s20, s0;
	s13 =	sshrl.u32 s13, $0x3  }
0x10: {  	s14 =	sshrl.u32 s14, $0x3;
	s7 =	sshrl.u32 s7, $0x3;
	s18 =	sshrl.u32 s18, $0x3  }
0x11: {  	s13 =	sadd.s32 s16, s13;
	s14 =	sadd.s32 s16, s14;
	s15 =	sadd.s32 s16, s7  }
0x12: {  	s16 =	sadd.s32 s16, s18;
	s18 =	sadd.s32 s0, s19;
	s19 =	sor.u32 $0x14200, s3  }
0x13: {  	s21 =	simm.s32 $0x14200;
	v0 =	vmov s19  }
0x14: {  	s22 =	simm.s32 $0x14000;
	s23 =	simm.s32 $0x14100;
	s24 =	simm.s32 $0x50  }
0x15: {  	s28 =	simm.s32 $0x1;
	s29 =	simm.s32 $0x19200;
	s30 =	simm.s32 $0x14180  }
0x16: {  	s31 =	simm.s32 $0x0;
	s10 =	sadd.s32 s26, s4;
	s20 =	simm.s32 $0x2  }
0x17: {  	v1 =	vimm.f32 $0.0e+00;
	s25 =	simm.s32 $0x14080;
	s26 =	simm.s32 $0x16A00;
	s17 =	smax.u32 s17, $0x1  }
.LBB2_1:
0x18: {  	s0 =	rddreg [dreg:$0x5];
	s3 =	simm.s32 $0x1E200  }
0x19: {  	[tilespmem:s3], [sflag:$0x2] =	stream.linear.gather [hbm4b:s0+s5], $0x80, $0x38;
	[tilespmem:$0x1E280] =	vst v63  }
0x1a: {  	_ =	swait.ge [sflag:s20], $0x80  }
0x1b: {  	[sflag:s20] =	ssyncset.done $0x0  }
0x1c: {  	s0 =	simm.s32 $0x0;
	s3 =	simm.s32 $0x200;
	[sflag:s20] =	ssyncadd.s32 $0xFFFFFF80  }
.LBB2_2:
0x1d: {  	p0 =	sne.s32 s3, $0x13E00;
	[tilespmem:s0+$0x14270] =	vst v1  }
0x1e: {  	[tilespmem:s0+$0x14200] =	vst v1  }
0x1f: {  	[tilespmem:s0+$0x14210] =	vst v1  }
.Ltmp0:
0x20: {  	[tilespmem:s0+$0x14220] =	vst v1;
	(pc) =	sbr.rel @p0 .LBB2_2-.Ltmp0, $4  }
0x21: {  	[tilespmem:s0+$0x14230] =	vst v1  }
0x22: {  	[tilespmem:s0+$0x14240] =	vst v1  }
0x23: {  	[tilespmem:s0+$0x14250] =	vst v1  }
0x24: {  	[tilespmem:s0+$0x14260] =	vst v1;
	s0 =	sshra.s32 s3, $0x2;
	s3 =	sadd.s32 $0x200, s3  }
0x25: {  	[tilespmem:s0+$0x14270] =	vst v1  }
0x26: {  	[tilespmem:s0+$0x14200] =	vst v1  }
0x27: {  	[tilespmem:s0+$0x14210] =	vst v1  }
0x28: {  	[tilespmem:s0+$0x14220] =	vst v1  }
0x29: {  	[tilespmem:s0+$0x14230] =	vst v1  }
0x2a: {  	[tilespmem:s0+$0x14240] =	vst v1  }
0x2b: {  	[tilespmem:s0+$0x14250] =	vst v1  }
0x2c: {  	[tilespmem:s0+$0x14260] =	vst v1  }
0x2d: {  	[spmem:s8] =	stream.linear.scatter [tilespmem:s21], [sflag:$0x2], $0x5000, $0x38;
	[tilespmem:$0x1E280] =	vst v63  }
0x2e: {  	_ =	swait.ge [sflag:s20], $0x5000  }
0x2f: {  	[sflag:s20] =	ssyncset.done $0x0  }
0x30: {  	[sflag:s20] =	ssyncadd.s32 $0xFFFFB000  }
0x31: {  	[spmem:s9] =	stream.linear.scatter [tilespmem:s21], [sflag:$0x2], $0x5000, $0x38;
	[tilespmem:$0x1E280] =	vst v63  }
0x32: {  	_ =	swait.ge [sflag:s20], $0x5000  }
0x33: {  	[sflag:s20] =	ssyncset.done $0x0  }
0x34: {  	[sflag:s20] =	ssyncadd.s32 $0xFFFFB000  }
0x35: {  	[spmem:s10] =	stream.linear.scatter [tilespmem:s21], [sflag:$0x2], $0x5000, $0x38;
	[tilespmem:$0x1E280] =	vst v63  }
0x36: {  	_ =	swait.ge [sflag:s20], $0x5000  }
0x37: {  	[sflag:s20] =	ssyncset.done $0x0  }
0x38: {  	[sflag:s20] =	ssyncadd.s32 $0xFFFFB000  }
0x39: {  	[spmem:s11] =	stream.linear.scatter [tilespmem:s21], [sflag:$0x2], $0x5000, $0x38;
	[tilespmem:$0x1E280] =	vst v63  }
0x3a: {  	_ =	swait.ge [sflag:s20], $0x5000  }
0x3b: {  	[sflag:s20] =	ssyncset.done $0x0  }
0x3c: {  	[sflag:s20] =	ssyncadd.s32 $0xFFFFB000  }
0x3d: {  	[bflag:$0x0] =	sbarrier.arrive $0xFFFF  }
0x3e: {  	s0 =	simm.s32 $0x0;
	s3 =	simm.s32 $0x0;
	v2 =	vld [tilespmem:$0x1E200]  }
.LBB2_4:
0x3f: {  	s7 =	sadd.s32 s12, s3  }
0x40: {  	s7 =	sshll.u32 s7, $0x5  }
0x41: {  	s19 =	sadd.s32 s2, s7  }
0x42: {  	[tilespmem:s22], [sflag:$0x2] =	stream.linear.gather [hbm4b:s19+s0], $0x100, $0x38;
	[tilespmem:$0x1E280] =	vst v63  }
0x43: {  	_ =	swait.ge [sflag:s20], $0x100  }
0x44: {  	[sflag:s20] =	ssyncset.done $0x0  }
0x45: {  	s7 =	sadd.s32 s6, s7;
	[sflag:s20] =	ssyncadd.s32 $0xFFFFFF00  }
0x46: {  	[tilespmem:s23], [sflag:$0x2] =	stream.linear.gather [hbm4b:s7+s0], $0x100, $0x38;
	[tilespmem:$0x1E280] =	vst v63  }
0x47: {  	_ =	swait.ge [sflag:s20], $0x100  }
0x48: {  	[sflag:s20] =	ssyncset.done $0x0  }
0x49: {  	[sflag:s20] =	ssyncadd.s32 $0xFFFFFF00  }
0x4a: {  	[tilespmem:s21], [sflag:$0x1] =	stream.indirect.gather [hbm4b:s1+s24], $0x80, s22, s24, $0xb8;
	[tilespmem:$0x1E280] =	vst v63  }
0x4b: {  	_ = 	snop  }
0x4c: {  	[tilespmem:s26], [sflag:$0x1] =	stream.indirect.gather [hbm4b:s1+s24], $0x80, s25, s24, $0xb8;
	[tilespmem:$0x1E280] =	vst v63  }
0x4d: {  	_ =	swait.ge [sflag:s28], $0x2800  }
0x4e: {  	[sflag:s28] =	ssyncset.done $0x0  }
0x4f: {  	[sflag:s28] =	ssyncadd.s32 $0xFFFFD800  }
0x50: {  	s19 =	smul.u32 $0xA00, s3;
	_ =	swait.ge [sflag:s28], $0x2800  }
0x51: {  	[sflag:s28] =	ssyncset.done $0x0  }
0x52: {  	s7 =	sadd.s32 s18, s19;
	[sflag:s28] =	ssyncadd.s32 $0xFFFFD800  }
0x53: {  	[tilespmem:s29], [sflag:$0x2] =	stream.linear.gather [hbm4b:s7+s0], $0x5000, $0x38;
	[tilespmem:$0x1E280] =	vst v63  }
0x54: {  	_ =	swait.ge [sflag:s20], $0x5000  }
0x55: {  	[sflag:s20] =	ssyncset.done $0x0  }
0x56: {  	s19 =	simm.s32 $0x0;
	s7 =	simm.s32 $0x200;
	[sflag:s20] =	ssyncadd.s32 $0xFFFFB000  }
.LBB2_5:
0x57: {  	p0 =	sne.s32 s7, $0x13E00;
	v3 =	vld.idx.msk [tilespmem:v0+s19+$0x0 ss:$0x1], $0xffff  }
0x58: {  	v4 =	vld [tilespmem:s19+$0x19200];
	_ =	sdelay $0x4  }
0x59: {  	v3 =	vadd.f32 v4, v3;
	_ =	sdelay $0x1  }
0x5a: {  	v3 =	vmax.f32 v3, $0.0e+00  }
0x5b: {  	v3 =	vadd.f32 $1.000000010e-07, v3;
	_ =	sdelay $0x1  }
0x5c: {  	v4 =	vmul.f32 v3, v2;
	_ =	sdelay $0x1  }
0x5d: {  	v4 =	vmul.f32 $1.442695020e+00, v4;
	_ =	sdelay $0x1  }
0x5e: {  	(erf) = vpow2.f32 v4;
	_ =	sdelay $0x8  }
0x5f: {  	v4 =	vpop (erf)  }
0x60: {  	v3 =	vmul.f32 v4, v3;
	[tilespmem:s19+$0x14240] =	vst v4;
	_ =	sdelay $0x1  }
0x61: {  	[tilespmem:s19+$0x14200] =	vst v3  }
0x62: {  	v3 =	vld.idx.msk [tilespmem:v0+s19+$0x10 ss:$0x1], $0xffff  }
0x63: {  	v4 =	vld [tilespmem:s19+$0x19210];
	_ =	sdelay $0x4  }
0x64: {  	v3 =	vadd.f32 v4, v3;
	_ =	sdelay $0x1  }
0x65: {  	v3 =	vmax.f32 v3, $0.0e+00  }
0x66: {  	v3 =	vadd.f32 $1.000000010e-07, v3;
	_ =	sdelay $0x1  }
0x67: {  	v4 =	vmul.f32 v3, v2;
	_ =	sdelay $0x1  }
0x68: {  	v4 =	vmul.f32 $1.442695020e+00, v4;
	_ =	sdelay $0x1  }
0x69: {  	(erf) = vpow2.f32 v4;
	_ =	sdelay $0x8  }
0x6a: {  	v4 =	vpop (erf)  }
0x6b: {  	v3 =	vmul.f32 v4, v3;
	[tilespmem:s19+$0x14250] =	vst v4;
	_ =	sdelay $0x1  }
0x6c: {  	[tilespmem:s19+$0x14210] =	vst v3  }
0x6d: {  	v3 =	vld.idx.msk [tilespmem:v0+s19+$0x20 ss:$0x1], $0xffff  }
0x6e: {  	v4 =	vld [tilespmem:s19+$0x19220];
	_ =	sdelay $0x4  }
0x6f: {  	v3 =	vadd.f32 v4, v3;
	_ =	sdelay $0x1  }
0x70: {  	v3 =	vmax.f32 v3, $0.0e+00  }
0x71: {  	v3 =	vadd.f32 $1.000000010e-07, v3;
	_ =	sdelay $0x1  }
0x72: {  	v4 =	vmul.f32 v3, v2;
	_ =	sdelay $0x1  }
0x73: {  	v4 =	vmul.f32 $1.442695020e+00, v4;
	_ =	sdelay $0x1  }
0x74: {  	(erf) = vpow2.f32 v4;
	_ =	sdelay $0x8  }
0x75: {  	v4 =	vpop (erf)  }
0x76: {  	v3 =	vmul.f32 v4, v3;
	[tilespmem:s19+$0x14260] =	vst v4;
	_ =	sdelay $0x1  }
0x77: {  	[tilespmem:s19+$0x14220] =	vst v3  }
0x78: {  	v3 =	vld.idx.msk [tilespmem:v0+s19+$0x30 ss:$0x1], $0xffff  }
0x79: {  	v4 =	vld [tilespmem:s19+$0x19230];
	_ =	sdelay $0x4  }
0x7a: {  	v3 =	vadd.f32 v4, v3;
	_ =	sdelay $0x1  }
0x7b: {  	v3 =	vmax.f32 v3, $0.0e+00  }
0x7c: {  	v3 =	vadd.f32 $1.000000010e-07, v3;
	_ =	sdelay $0x1  }
0x7d: {  	v4 =	vmul.f32 v3, v2;
	_ =	sdelay $0x1  }
0x7e: {  	v4 =	vmul.f32 $1.442695020e+00, v4;
	_ =	sdelay $0x1  }
0x7f: {  	(erf) = vpow2.f32 v4;
	_ =	sdelay $0x7  }
.Ltmp1:
0x80: {  	(pc) =	sbr.rel @p0 .LBB2_5-.Ltmp1, $3  }
0x81: {  	v4 =	vpop (erf)  }
0x82: {  	v3 =	vmul.f32 v4, v3;
	[tilespmem:s19+$0x14270] =	vst v4;
	_ =	sdelay $0x1  }
0x83: {  	[tilespmem:s19+$0x14230] =	vst v3;
	s19 =	sshra.s32 s7, $0x2;
	s7 =	sadd.s32 $0x200, s7  }
0x84: {  	_ =	sdelay $0x3  }
0x85: {  	v3 =	vld.idx.msk [tilespmem:v0+s19+$0x0 ss:$0x1], $0xffff  }
0x86: {  	v4 =	vld [tilespmem:s19+$0x19200];
	_ =	sdelay $0x4  }
0x87: {  	v3 =	vadd.f32 v4, v3;
	_ =	sdelay $0x1  }
0x88: {  	v3 =	vmax.f32 v3, $0.0e+00  }
0x89: {  	v3 =	vadd.f32 $1.000000010e-07, v3;
	_ =	sdelay $0x1  }
0x8a: {  	v57 =	vmul.f32 v3, v2;
	_ =	sdelay $0x1  }
0x8b: {  	v4 =	vmul.f32 $1.442695020e+00, v57;
	_ =	sdelay $0x1  }
0x8c: {  	(erf) = vpow2.f32 v4;
	_ =	sdelay $0x8  }
0x8d: {  	v4 =	vpop (erf)  }
0x8e: {  	v3 =	vmul.f32 v4, v3  }
0x8f: {  	[tilespmem:s19+$0x14240] =	vst v4  }
0x90: {  	v58 =	vld [tilespmem:s19+$0x19210];
	[tilespmem:s19+$0x14200] =	vst v3  }
0x91: {  	v3 =	vld.idx.msk [tilespmem:v0+s19+$0x10 ss:$0x1], $0xffff;
	_ =	sdelay $0x4  }
0x92: {  	v3 =	vadd.f32 v58, v3;
	_ =	sdelay $0x1  }
0x93: {  	v3 =	vmax.f32 v3, $0.0e+00  }
0x94: {  	v3 =	vadd.f32 $1.000000010e-07, v3;
	_ =	sdelay $0x1  }
0x95: {  	v59 =	vmul.f32 v3, v2;
	_ =	sdelay $0x1  }
0x96: {  	v4 =	vmul.f32 $1.442695020e+00, v59;
	_ =	sdelay $0x1  }
0x97: {  	(erf) = vpow2.f32 v4;
	_ =	sdelay $0x8  }
0x98: {  	v4 =	vpop (erf)  }
0x99: {  	v3 =	vmul.f32 v4, v3  }
0x9a: {  	[tilespmem:s19+$0x14250] =	vst v4  }
0x9b: {  	v60 =	vld [tilespmem:s19+$0x19220];
	[tilespmem:s19+$0x14210] =	vst v3  }
0x9c: {  	v3 =	vld.idx.msk [tilespmem:v0+s19+$0x20 ss:$0x1], $0xffff;
	_ =	sdelay $0x4  }
0x9d: {  	v3 =	vadd.f32 v60, v3;
	_ =	sdelay $0x1  }
0x9e: {  	v3 =	vmax.f32 v3, $0.0e+00  }
0x9f: {  	v3 =	vadd.f32 $1.000000010e-07, v3;
	_ =	sdelay $0x1  }
0xa0: {  	v61 =	vmul.f32 v3, v2;
	_ =	sdelay $0x1  }
0xa1: {  	v4 =	vmul.f32 $1.442695020e+00, v61;
	_ =	sdelay $0x1  }
0xa2: {  	(erf) = vpow2.f32 v4;
	_ =	sdelay $0x8  }
0xa3: {  	v4 =	vpop (erf)  }
0xa4: {  	v3 =	vmul.f32 v4, v3  }
0xa5: {  	[tilespmem:s19+$0x14260] =	vst v4  }
0xa6: {  	v62 =	vld [tilespmem:s19+$0x19230];
	[tilespmem:s19+$0x14220] =	vst v3  }
0xa7: {  	v3 =	vld.idx.msk [tilespmem:v0+s19+$0x30 ss:$0x1], $0xffff;
	_ =	sdelay $0x4  }
0xa8: {  	v3 =	vadd.f32 v62, v3;
	_ =	sdelay $0x1  }
0xa9: {  	v3 =	vmax.f32 v3, $0.0e+00  }
0xaa: {  	v3 =	vadd.f32 $1.000000010e-07, v3;
	_ =	sdelay $0x1  }
0xab: {  	v63 =	vmul.f32 v3, v2;
	_ =	sdelay $0x1  }
0xac: {  	v4 =	vmul.f32 $1.442695020e+00, v63;
	_ =	sdelay $0x1  }
0xad: {  	(erf) = vpow2.f32 v4;
	_ =	sdelay $0x8  }
0xae: {  	v4 =	vpop (erf)  }
0xaf: {  	v3 =	vmul.f32 v4, v3  }
0xb0: {  	[tilespmem:s19+$0x14270] =	vst v4  }
0xb1: {  	[tilespmem:s19+$0x14230] =	vst v3  }
0xb2: {  	[spmem:s4] =	stream.indirect.scatter.add.f32 [tilespmem:s21], [sflag:$0x2], $0x80, s23, s24, $0xb8;
	[tilespmem:$0x1E280] =	vst v63  }
0xb3: {  	s3 =	sadd.s32 $0x1, s3;
	_ =	swait.ge [sflag:s20], $0x2800  }
0xb4: {  	p0 =	sne.s32 s3, $0x7D;
	[sflag:s20] =	ssyncset.done $0x0  }
.Ltmp2:
0xb5: {  	[sflag:s20] =	ssyncadd.s32 $0xFFFFD800;
	(pc) =	sbr.rel @p0 .LBB2_4-.Ltmp2, $4  }
0xb6: {  	[spmem:s4] =	stream.indirect.scatter.add.f32 [tilespmem:s26], [sflag:$0x2], $0x80, s30, s24, $0xb8;
	[tilespmem:$0x1E280] =	vst v63  }
0xb7: {  	_ =	swait.ge [sflag:s20], $0x2800  }
0xb8: {  	[sflag:s20] =	ssyncset.done $0x0  }
0xb9: {  	[sflag:s20] =	ssyncadd.s32 $0xFFFFD800  }
0xba: {  	[bflag:$0x0] =	sbarrier.arrive $0xFFFF  }
0xbb: {  	[tilespmem:s21], [sflag:$0x2] =	stream.linear.gather [spmem:s8], $0x5000, $0x38;
	[tilespmem:$0x1E280] =	vst v63  }
0xbc: {  	_ =	swait.ge [sflag:s20], $0x5000  }
0xbd: {  	[sflag:s20] =	ssyncset.done $0x0  }
0xbe: {  	[sflag:s20] =	ssyncadd.s32 $0xFFFFB000  }
0xbf: {  	[hbm4b:s13+s5] =	stream.linear.scatter [tilespmem:s21], [sflag:$0x2], $0x5000, $0x38;
	[tilespmem:$0x1E280] =	vst v63  }
0xc0: {  	_ =	swait.ge [sflag:s20], $0x5000  }
0xc1: {  	[sflag:s20] =	ssyncset.done $0x0  }
0xc2: {  	[sflag:s20] =	ssyncadd.s32 $0xFFFFB000  }
0xc3: {  	[tilespmem:s21], [sflag:$0x2] =	stream.linear.gather [spmem:s9], $0x5000, $0x38;
	[tilespmem:$0x1E280] =	vst v63  }
0xc4: {  	_ =	swait.ge [sflag:s20], $0x5000  }
0xc5: {  	[sflag:s20] =	ssyncset.done $0x0  }
0xc6: {  	[sflag:s20] =	ssyncadd.s32 $0xFFFFB000  }
0xc7: {  	[hbm4b:s14+s5] =	stream.linear.scatter [tilespmem:s21], [sflag:$0x2], $0x5000, $0x38;
	[tilespmem:$0x1E280] =	vst v63  }
0xc8: {  	_ =	swait.ge [sflag:s20], $0x5000  }
0xc9: {  	[sflag:s20] =	ssyncset.done $0x0  }
0xca: {  	[sflag:s20] =	ssyncadd.s32 $0xFFFFB000  }
0xcb: {  	[tilespmem:s21], [sflag:$0x2] =	stream.linear.gather [spmem:s10], $0x5000, $0x38;
	[tilespmem:$0x1E280] =	vst v63  }
0xcc: {  	_ =	swait.ge [sflag:s20], $0x5000  }
0xcd: {  	[sflag:s20] =	ssyncset.done $0x0  }
0xce: {  	[sflag:s20] =	ssyncadd.s32 $0xFFFFB000  }
0xcf: {  	[hbm4b:s15+s5] =	stream.linear.scatter [tilespmem:s21], [sflag:$0x2], $0x5000, $0x38;
	[tilespmem:$0x1E280] =	vst v63  }
0xd0: {  	_ =	swait.ge [sflag:s20], $0x5000  }
0xd1: {  	[sflag:s20] =	ssyncset.done $0x0  }
0xd2: {  	[sflag:s20] =	ssyncadd.s32 $0xFFFFB000  }
0xd3: {  	[tilespmem:s21], [sflag:$0x2] =	stream.linear.gather [spmem:s11], $0x5000, $0x38;
	[tilespmem:$0x1E280] =	vst v63  }
0xd4: {  	s31 =	sadd.s32 $0x1, s31;
	_ =	swait.ge [sflag:s20], $0x5000  }
0xd5: {  	p0 =	sne.s32 s31, s17;
	[sflag:s20] =	ssyncset.done $0x0  }
.Ltmp3:
0xd6: {  	[sflag:s20] =	ssyncadd.s32 $0xFFFFB000;
	(pc) =	sbr.rel @p0 .LBB2_1-.Ltmp3, $4  }
0xd7: {  	[hbm4b:s16+s5] =	stream.linear.scatter [tilespmem:s21], [sflag:$0x2], $0x5000, $0x38;
	[tilespmem:$0x1E280] =	vst v63  }
0xd8: {  	_ =	swait.ge [sflag:s20], $0x5000  }
0xd9: {  	[sflag:s20] =	ssyncset.done $0x0  }
0xda: {  	[sflag:s20] =	ssyncadd.s32 $0xFFFFB000  }
0xdb: {  	_ =	sfence.sel $0x180000  }
0xdc: {  	[bflag:$0x0] =	sbarrier.arrive $0xFFFF  }
0xdd: {  	_ =	strace $0x90000047  }
0xde: {  	s0 =	stileid.u32;
	[bflag:$0x2] =	sbarrier.arrive $0xFFFF  }
0xdf: {  	p0 =	sne.s32 s0, $0x0;
	s0 =	rddreg [dreg:$0x4]  }
0xe0: {  	s0 =	sadd.s32 @!p0 $0x100000, s0  }
0xe1: {  	[sflag:s0] =	ssyncadd.tile.s32 @!p0 $0x1;
	_ =	shalt  }
.Lfunc_end2:
_tile_overlayer_lowered:
.L_overlay_start_2:
0xe2: {  	(tag) =	ssettag $0x2  }
0xe3: {  	s0 =	rddreg [dreg:$0x0];
	s2 =	stileid.u32  }
0xe4: {  	s1 =	rddreg [dreg:$0x1];
	p0 =	sne.s32 s2, $0x0  }
0xe5: {  	s3 =	rddreg [dreg:$0x2];
	[bflag:$0x3] =	sbarrier.arrive $0xFFFF;
	s2 =	simm.s32 @!p0 $0x1C02  }
0xe6: {  	[timem:s3], [sflag:s2] =	dma.local @!p0 [hbm:s0], s1  }
0xe7: {  	s0 =	simm.s32 @!p0 $0x2  }
0xe8: {  	_ =	swait.ge @!p0 [sflag:s0], s1  }
0xe9: {  	s1 =	ssub.s32 @!p0 $0x0, s1;
	[sflag:s0] =	ssyncset.done @!p0 $0x0  }
0xea: {  	[sflag:s0] =	ssyncadd.s32 @!p0 s1  }
0xeb: {  	[bflag:$0x3] =	sbarrier.arrive $0xFFFF  }
0xec: {  	_ =	shalt  }

</sc_bundles>
